<compile_context>
chip_gen: v7x
topology: tpu7x:2x2x1
jax: 0.10.2.dev20260603
libtpu: 0.0.44.dev20260713+nightly
codegen_flags: <defaults>
</compile_context>

<pallas_src>
import functools

import jax
from jax import lax
import jax.numpy as jnp
from jax.experimental import pallas as pl
from jax.experimental.pallas import tpu as pltpu
from jax.experimental.pallas import tpu_sc as plsc

D = 512
O = 256
BI = 128
NSUB = 16
_PREC = jax.lax.Precision.DEFAULT
_VSPEC = pl.BlockSpec(memory_space=pltpu.MemorySpace.VMEM)


def _xw1_body(a_ref, x_ref, w_ref, h_ref, dis_ref):
    deg = jnp.sum(a_ref[...], axis=1, keepdims=True) + 1.0
    dis = jax.lax.rsqrt(deg)
    dis_ref[...] = dis
    h_ref[...] = jnp.dot(x_ref[...], w_ref[...], precision=_PREC,
                         preferred_element_type=jnp.float32) * dis


def _xw1(a0, x, w, Npad, bi):
    return pl.pallas_call(
        _xw1_body,
        grid=(Npad // bi,),
        in_specs=[pl.BlockSpec((bi, Npad), lambda i: (i, 0)),
                  pl.BlockSpec((bi, D), lambda i: (i, 0)),
                  pl.BlockSpec((D, D), lambda i: (0, 0))],
        out_specs=[pl.BlockSpec((bi, D), lambda i: (i, 0)),
                   pl.BlockSpec((bi, 1), lambda i: (i, 0))],
        out_shape=[jax.ShapeDtypeStruct((Npad, D), jnp.float32),
                   jax.ShapeDtypeStruct((Npad, 1), jnp.float32)],
    )(a0, x, w)


def _xw_body(x_ref, w_ref, dis_ref, h_ref):
    h_ref[...] = jnp.dot(x_ref[...], w_ref[...], precision=_PREC,
                         preferred_element_type=jnp.float32) * dis_ref[...]


def _xw(x, w, dis, Npad, bi):
    return pl.pallas_call(
        _xw_body,
        grid=(Npad // bi,),
        in_specs=[pl.BlockSpec((bi, D), lambda i: (i, 0)),
                  pl.BlockSpec((D, D), lambda i: (0, 0)),
                  pl.BlockSpec((bi, 1), lambda i: (i, 0))],
        out_specs=pl.BlockSpec((bi, D), lambda i: (i, 0)),
        out_shape=jax.ShapeDtypeStruct((Npad, D), jnp.float32),
    )(x, w, dis)


def _ah_body(N, bi, a_ref, h_ref, hb_ref, dis_ref, b_ref, x_ref, sum_ref):
    i = pl.program_id(0)
    p = jnp.dot(a_ref[...], h_ref[...], precision=_PREC,
                preferred_element_type=jnp.float32) + hb_ref[...]
    x = jnp.maximum(p * dis_ref[...] + b_ref[...], 0.0)
    rows = i * bi + jax.lax.broadcasted_iota(jnp.int32, (bi, 1), 0)
    x = jnp.where(rows < N, x, 0.0)
    x_ref[...] = x

    @pl.when(i == 0)
    def _():
        sum_ref[0] = 0.0

    sum_ref[0] += jnp.sum(x)


def _ah(N, a0, h, dis, b, Npad, bi):
    return pl.pallas_call(
        functools.partial(_ah_body, N, bi),
        grid=(Npad // bi,),
        in_specs=[pl.BlockSpec((bi, Npad), lambda i: (i, 0)),
                  pl.BlockSpec((Npad, D), lambda i: (0, 0)),
                  pl.BlockSpec((bi, D), lambda i: (i, 0)),
                  pl.BlockSpec((bi, 1), lambda i: (i, 0)),
                  pl.BlockSpec((1, D), lambda i: (0, 0))],
        out_specs=[pl.BlockSpec((bi, D), lambda i: (i, 0)),
                   pl.BlockSpec(memory_space=pltpu.MemorySpace.SMEM)],
        out_shape=[jax.ShapeDtypeStruct((Npad, D), jnp.float32),
                   jax.ShapeDtypeStruct((1,), jnp.float32)],
    )(a0, h, h, dis, b)


def _fuse_body(N, x1_ref, x2_ref, cw0_ref, cw1_ref, cb_ref, fc_ref,
               s1_ref, s2_ref, out_ref):
    inv = 1.0 / (N * D)
    s1 = s1_ref[0] * inv
    s2 = s2_ref[0] * inv
    f = fc_ref
    a1 = jnp.maximum(s1 * f[0] + s2 * f[1] + f[4], 0.0)
    a2 = jnp.maximum(s1 * f[2] + s2 * f[3] + f[5], 0.0)
    t1 = jax.nn.sigmoid(a1 * f[6] + a2 * f[7] + f[10])
    t2 = jax.nn.sigmoid(a1 * f[8] + a2 * f[9] + f[11])
    out_ref[...] = (
        t1 * jnp.dot(x1_ref[...], cw0_ref[...], precision=_PREC,
                     preferred_element_type=jnp.float32)
        + t2 * jnp.dot(x2_ref[...], cw1_ref[...], precision=_PREC,
                       preferred_element_type=jnp.float32)
        + cb_ref[...])


def _fuse(N, x1, x2, cw0t, cw1t, cb, fc, s1, s2, Npad, bi):
    sspec = pl.BlockSpec(memory_space=pltpu.MemorySpace.SMEM)
    return pl.pallas_call(
        functools.partial(_fuse_body, N),
        grid=(Npad // bi,),
        in_specs=[pl.BlockSpec((bi, D), lambda i: (i, 0)),
                  pl.BlockSpec((bi, D), lambda i: (i, 0)),
                  pl.BlockSpec((D, O), lambda i: (0, 0)),
                  pl.BlockSpec((D, O), lambda i: (0, 0)),
                  pl.BlockSpec((1, O), lambda i: (0, 0)),
                  sspec, sspec, sspec],
        out_specs=pl.BlockSpec((bi, O), lambda i: (i, 0)),
        out_shape=jax.ShapeDtypeStruct((Npad, O), jnp.float32),
    )(x1, x2, cw0t, cw1t, cb, fc, s1, s2)


def _final_body(mf_ref, df_ref, out_ref):
    out_ref[...] = jax.lax.dot_general(
        mf_ref[...], df_ref[...], (((1,), (1,)), ((), ())),
        precision=_PREC, preferred_element_type=jnp.float32)


def _final(mf, df, NMp, NDp):
    bi = 288
    return pl.pallas_call(
        _final_body,
        grid=(NMp // bi,),
        in_specs=[pl.BlockSpec((bi, O), lambda i: (i, 0)),
                  pl.BlockSpec((NDp, O), lambda i: (0, 0))],
        out_specs=pl.BlockSpec((bi, NDp), lambda i: (i, 0)),
        out_shape=jax.ShapeDtypeStruct((NMp, NDp), jnp.float32),
    )(mf, df)


def _encoder(N, Npad, bi, a0, x, W1, W2, b1, b2, fc, cw0t, cw1t, cb):
    h1, dis = _xw1(a0, x, W1, Npad, bi)
    x1, s1 = _ah(N, a0, h1, dis, b1, Npad, bi)
    h2 = _xw(x1, W2, dis, Npad, bi)
    x2, s2 = _ah(N, a0, h2, dis, b2, Npad, bi)
    return _fuse(N, x1, x2, cw0t, cw1t, cb, fc, s1, s2, Npad, bi)


def _pad_rows(x, Npad):
    return jnp.zeros((Npad, x.shape[1]), x.dtype).at[: x.shape[0]].set(x)


def _sc_body(N, Npad, CHK, NB, RPR, RPC, CZ,
             sp_hbm, tp_hbm, attr_hbm, out_hbm,
             sv, tv, iv, wv, zb, ob, shared, sem, osem0, osem1):
    osem = [osem0, osem1]
    core = lax.axis_index("c")
    sid = lax.axis_index("s")
    base_e = sid * CHK
    pltpu.sync_copy(sp_hbm.at[pl.ds(base_e, CHK)], sv)
    pltpu.sync_copy(tp_hbm.at[pl.ds(base_e, CHK)], tv)

    @pl.loop(0, NB)
    def _(b):
        @pl.loop(0, 128, step=16)
        def _(j):
            k = b * 128 + j
            iv[b, pl.ds(j, 16)] = sv[pl.ds(k, 16)] * N + tv[pl.ds(k, 16)]

    @pl.loop(0, NB)
    def _(b):
        pltpu.sync_copy(attr_hbm.at[iv.at[b]], wv.at[b])

    @pl.loop(0, CZ, step=16)
    def _(i):
        zb[pl.ds(i, 16)] = jnp.zeros((16,), jnp.float32)

    ochk = RPR * Npad // NSUB
    NCHK = ochk // CZ
    for r in range(RPC):
        base = (core * RPC + r) * RPR

        zcps = [pltpu.async_copy(
            zb, shared.at[pl.ds(sid * ochk + c * CZ, CZ)], sem)
            for c in range(NCHK)]

        @pl.loop(0, NB)
        def _(b):
            @pl.loop(0, 128, step=16)
            def _(j):
                k = b * 128 + j
                s16 = sv[pl.ds(k, 16)]
                t16 = tv[pl.ds(k, 16)]
                tt = t16 - base
                inr = (tt >= 0) & (tt < RPR)
                spread = (s16 + k + lax.iota(jnp.int32, 16)) & 1023
                iv[b, pl.ds(j, 16)] = jnp.where(
                    inr, tt * Npad + s16, RPR * Npad + spread)

        for c in zcps:
            c.wait()
        plsc.subcore_barrier()

        @pl.loop(0, NB)
        def _(b):
            pltpu.sync_copy(wv.at[b], shared.at[iv.at[b]], add=True)

        plsc.subcore_barrier()
        pend = [None, None]
        for c in range(NCHK):
            half = c % 2
            buf = ob.at[pl.ds(half * CZ, CZ)]
            if pend[half] is not None:
                pend[half].wait()
            pltpu.sync_copy(shared.at[pl.ds(sid * ochk + c * CZ, CZ)], buf)
            pend[half] = pltpu.async_copy(
                buf, out_hbm.at[pl.ds(base * Npad + sid * ochk + c * CZ, CZ)],
                osem[half])
        for p in pend:
            if p is not None:
                p.wait()
        plsc.subcore_barrier()


def _build_a0(edge, attr, N, Npad, RPR, RPC):
    E = edge.shape[1]
    CHK = ((E + NSUB - 1) // NSUB + 127) // 128 * 128
    Epad = CHK * NSUB
    NB = CHK // 128
    ZSZ = (RPR + 1) * Npad
    assert 2 * RPC * RPR == Npad
    ochk = RPR * Npad // NSUB
    CZ = next(c for c in range(8192, 7, -8) if ochk % c == 0)

    s = edge[0].astype(jnp.int32)
    t = edge[1].astype(jnp.int32)
    sp = jnp.zeros((Epad,), jnp.int32).at[:E].set(s)
    tp = jnp.full((Epad,), Npad, jnp.int32).at[:E].set(t)

    kfn = pl.kernel(
        functools.partial(_sc_body, N, Npad, CHK, NB, RPR, RPC, CZ),
        out_type=jax.ShapeDtypeStruct((Npad * Npad,), jnp.float32),
        mesh=plsc.VectorSubcoreMesh(core_axis_name="c",
                                    subcore_axis_name="s"),
        scratch_types=[
            pltpu.VMEM((CHK,), jnp.int32),
            pltpu.VMEM((CHK,), jnp.int32),
            pltpu.VMEM((NB, 128), jnp.int32),
            pltpu.VMEM((NB, 128), jnp.float32),
            pltpu.VMEM((CZ,), jnp.float32),
            pltpu.VMEM((2 * CZ,), jnp.float32),
            pltpu.VMEM_SHARED((ZSZ,), jnp.float32),
            pltpu.SemaphoreType.DMA,
            pltpu.SemaphoreType.DMA,
            pltpu.SemaphoreType.DMA,
        ],
    )
    return kfn(sp, tp, attr.reshape(-1)).reshape(Npad, Npad)


def _pack_fc(fc1_w, fc1_b, fc2_w, fc2_b):
    return jnp.concatenate([fc1_w.ravel(), fc1_b.ravel(),
                            fc2_w.ravel(), fc2_b.ravel()]).astype(jnp.float32)


def kernel(mirna_embedding, drug_embedding, mm_edge, mm_attr, dd_edge, dd_attr,
           m_W1, m_b1, m_W2, m_b2, d_W1, d_b1, d_W2, d_b2,
           m_fc1_w, m_fc1_b, m_fc2_w, m_fc2_b, d_fc1_w, d_fc1_b,
           d_fc2_w, d_fc2_b, m_conv_w, m_conv_b, d_conv_w, d_conv_b):
    NM = mirna_embedding.shape[0]
    ND = drug_embedding.shape[0]
    NMp = ((NM + 127) // 128) * 128
    NDp = ((ND + 127) // 128) * 128

    a0_m = _build_a0(mm_edge, mm_attr, NM, NMp, NMp // 2, 1)
    a0_d = _build_a0(dd_edge, dd_attr, ND, NDp, NDp // 4, 2)

    mf = _encoder(
        NM, NMp, 288, a0_m, _pad_rows(mirna_embedding, NMp), m_W1, m_W2,
        m_b1.reshape(1, -1), m_b2.reshape(1, -1),
        _pack_fc(m_fc1_w, m_fc1_b, m_fc2_w, m_fc2_b),
        m_conv_w[:, 0, :].T, m_conv_w[:, 1, :].T, m_conv_b.reshape(1, -1))
    df = _encoder(
        ND, NDp, 272, a0_d, _pad_rows(drug_embedding, NDp), d_W1, d_W2,
        d_b1.reshape(1, -1), d_b2.reshape(1, -1),
        _pack_fc(d_fc1_w, d_fc1_b, d_fc2_w, d_fc2_b),
        d_conv_w[:, 0, :].T, d_conv_w[:, 1, :].T, d_conv_b.reshape(1, -1))

    out = _final(mf, df, NMp, NDp)
    return out[:NM, :ND]

# --- scband reference (transcript-rebuilt; emitter-appended) ---
"""Pipeline reference for scband-single-view-gnn-35682588295428 (READ-ONLY COPY).

The authoritative reference and input builder live on the scoring server;
editing this copy changes nothing except your own understanding.
"""

import jax, jax.numpy as jnp
import numpy as np

NM = 1043
ND = 2166
D = 512
H = 512
O = 256
E_MM = 66752
E_DD = 138624


def gcn_conv(x, src, dst, ew, W, b):
    N = x.shape[0]
    loop = jnp.arange(N)
    s = jnp.concatenate([src, loop])
    t = jnp.concatenate([dst, loop])
    w = jnp.concatenate([ew, jnp.ones((N,), x.dtype)])
    deg = jax.ops.segment_sum(w, t, num_segments=N)
    dis = jax.lax.rsqrt(jnp.maximum(deg, 1e-12))
    norm = dis[s] * w * dis[t]
    h = x @ W
    out = jax.ops.segment_sum(h[s] * norm[:, None], t, num_segments=N)
    return out + b


def encoder(x, edge_index, ew, W1, b1, W2, b2):
    src = edge_index[0]
    dst = edge_index[1]
    x1 = jax.nn.relu(gcn_conv(x, src, dst, ew, W1, b1))
    x2 = jax.nn.relu(gcn_conv(x1, src, dst, ew, W2, b2))
    return jnp.concatenate([x1[:, :, None], x2[:, :, None]], axis=2)


def attention(x4, fc1_w, fc1_b, fc2_w, fc2_b):
    att = jnp.mean(x4, axis=(2, 3))
    att = jax.nn.relu(att @ fc1_w.T + fc1_b)
    att = jax.nn.sigmoid(att @ fc2_w.T + fc2_b)
    att = jax.nn.relu(att).reshape(1, 2, 1, 1)
    return jax.nn.relu(x4 * att)


def fusion(x4, cw, cb):
    out = jnp.einsum('ocd,cdn->on', cw, x4[0]) + cb[:, None]
    return out.T


def setup_inputs(seed: int = 0):
    key = jax.random.key(seed)
    ks = jax.random.split(key, 20)
    inp = {}
    inp['mm_edge'] = jax.random.randint(ks[0], (2, E_MM), 0, NM)
    inp['dd_edge'] = jax.random.randint(ks[1], (2, E_DD), 0, ND)
    inp['mm_attr'] = jax.random.uniform(ks[2], (NM, NM), dtype=jnp.float32)
    inp['dd_attr'] = jax.random.uniform(ks[3], (ND, ND), dtype=jnp.float32)
    inp['mirna_embedding'] = jax.random.normal(ks[4], (NM, D), dtype=jnp.float32)
    inp['drug_embedding'] = jax.random.normal(ks[5], (ND, D), dtype=jnp.float32)
    sd = 1.0 / np.sqrt(D)
    sh = 1.0 / np.sqrt(H)
    inp['m_W1'] = jax.random.uniform(ks[6], (D, H), minval=-sd, maxval=sd, dtype=jnp.float32)
    inp['m_b1'] = jnp.zeros((H,), jnp.float32)
    inp['m_W2'] = jax.random.uniform(ks[7], (H, H), minval=-sh, maxval=sh, dtype=jnp.float32)
    inp['m_b2'] = jnp.zeros((H,), jnp.float32)
    inp['d_W1'] = jax.random.uniform(ks[8], (D, H), minval=-sd, maxval=sd, dtype=jnp.float32)
    inp['d_b1'] = jnp.zeros((H,), jnp.float32)
    inp['d_W2'] = jax.random.uniform(ks[9], (H, H), minval=-sh, maxval=sh, dtype=jnp.float32)
    inp['d_b2'] = jnp.zeros((H,), jnp.float32)
    s2 = 1.0 / np.sqrt(2.0)
    for pfx, k1, k2 in (('m', 10, 11), ('d', 12, 13)):
        inp[pfx + '_fc1_w'] = jax.random.uniform(ks[k1], (2, 2), minval=-s2, maxval=s2, dtype=jnp.float32)
        inp[pfx + '_fc1_b'] = jnp.zeros((2,), jnp.float32)
        inp[pfx + '_fc2_w'] = jax.random.uniform(ks[k2], (2, 2), minval=-s2, maxval=s2, dtype=jnp.float32)
        inp[pfx + '_fc2_b'] = jnp.zeros((2,), jnp.float32)
    sconv = 1.0 / np.sqrt(2.0 * D)
    inp['m_conv_w'] = jax.random.uniform(ks[14], (O, 2, D), minval=-sconv, maxval=sconv, dtype=jnp.float32)
    inp['m_conv_b'] = jnp.zeros((O,), jnp.float32)
    inp['d_conv_w'] = jax.random.uniform(ks[15], (O, 2, D), minval=-sconv, maxval=sconv, dtype=jnp.float32)
    inp['d_conv_b'] = jnp.zeros((O,), jnp.float32)
    return inp


def reference(mirna_embedding, drug_embedding, mm_edge, mm_attr, dd_edge, dd_attr, m_W1, m_b1, m_W2, m_b2, d_W1, d_b1, d_W2, d_b2, m_fc1_w, m_fc1_b, m_fc2_w, m_fc2_b, d_fc1_w, d_fc1_b, d_fc2_w, d_fc2_b, m_conv_w, m_conv_b, d_conv_w, d_conv_b):
    mm_w = mm_attr[mm_edge[0], mm_edge[1]]
    dd_w = dd_attr[dd_edge[0], dd_edge[1]]
    me = encoder(mirna_embedding, mm_edge, mm_w, m_W1, m_b1, m_W2, m_b2)
    de = encoder(drug_embedding, dd_edge, dd_w, d_W1, d_b1, d_W2, d_b2)
    me4 = jnp.transpose(me[None], (0, 3, 2, 1))
    de4 = jnp.transpose(de[None], (0, 3, 2, 1))
    me4 = attention(me4, m_fc1_w, m_fc1_b, m_fc2_w, m_fc2_b)
    de4 = attention(de4, d_fc1_w, d_fc1_b, d_fc2_w, d_fc2_b)
    mf = fusion(me4, m_conv_w, m_conv_b)
    df = fusion(de4, d_conv_w, d_conv_b)
    return mf @ df.T

if __name__ == "__main__":
    import jax
    _d = setup_inputs()
    print(jax.jit(kernel)(*tuple(_d.values())))

</pallas_src>

<mosaic_0001>
#map = affine_map<(d0, d1) -> (0)>
module attributes {stable_mosaic.version = 14 : i64} {
  func.func @_sc_body(%arg0: i32, %arg1: i32, %arg2: memref<2048xi32, #tpu.memory_space<hbm>>, %arg3: memref<2048xi32, #tpu.memory_space<hbm>>, %arg4: memref<1108992xf32, #tpu.memory_space<hbm>>, %arg5: memref<16384xf32, #tpu.memory_space<hbm>>, %arg6: memref<128xi32, #tpu.memory_space<vmem>>, %arg7: memref<128xi32, #tpu.memory_space<vmem>>, %arg8: memref<1x128xi32, #tpu.memory_space<vmem>>, %arg9: memref<1x128xf32, #tpu.memory_space<vmem>>, %arg10: memref<256xf32, #tpu.memory_space<vmem>>, %arg11: memref<512xf32, #tpu.memory_space<vmem>>, %arg12: memref<4224xf32, #tpu.memory_space<vmem_shared>>, %arg13: memref<!tpu.dma_semaphore, #tpu.memory_space<semaphore_mem>>, %arg14: memref<!tpu.dma_semaphore, #tpu.memory_space<semaphore_mem>>, %arg15: memref<!tpu.dma_semaphore, #tpu.memory_space<semaphore_mem>>) attributes {dimension_semantics = [#tpu.dimension_semantics<core_parallel>, #tpu.dimension_semantics<subcore_parallel>], iteration_bounds = array<i64: 2, 16>, scalar_prefetch = 0 : i64, scratch_operands = 10 : i64, tpu.core_type = #tpu.core_type<sc_vector_subcore>, window_params = [{transform_indices = #map}, {transform_indices = #map}, {transform_indices = #map}, {transform_indices = #map}]} {
    %mul3A = arith.constant 128 : i32
    %mul3A_0 = arith.muli %arg1, %mul3A : i32
    "tpu.region"() ({
      %run_scoped3A = tpu.sem_alloc : memref<!tpu.dma_semaphore, #tpu.memory_space<semaphore_mem>>
      %dma_start3A_132 = tpu.memref_slice %arg2[%mul3A_0] : memref<2048xi32, #tpu.memory_space<hbm>> -> memref<128xi32, #tpu.memory_space<hbm>>
      %dma_start3A_133 = tpu.memref_slice %arg2[%mul3A_0] : memref<2048xi32, #tpu.memory_space<hbm>> -> memref<128xi32, #tpu.memory_space<hbm>>
      tpu.enqueue_dma source(%dma_start3A_133 : memref<128xi32, #tpu.memory_space<hbm>>) target(%arg6 : memref<128xi32, #tpu.memory_space<vmem>>) target_semaphore(%run_scoped3A : memref<!tpu.dma_semaphore, #tpu.memory_space<semaphore_mem>>)
      %dma_wait3A_134 = tpu.memref_slice %arg2[%mul3A_0] : memref<2048xi32, #tpu.memory_space<hbm>> -> memref<128xi32, #tpu.memory_space<hbm>>
      %dma_wait3A_135 = tpu.memref_slice %arg2[%mul3A_0] : memref<2048xi32, #tpu.memory_space<hbm>> -> memref<128xi32, #tpu.memory_space<hbm>>
      tpu.wait_dma2 semaphore(%run_scoped3A : memref<!tpu.dma_semaphore, #tpu.memory_space<semaphore_mem>>) src(%dma_wait3A_135 : memref<128xi32, #tpu.memory_space<hbm>>) dst(%arg6 : memref<128xi32, #tpu.memory_space<vmem>>)
      tpu.yield
    }) : () -> ()
    "tpu.region"() ({
      %run_scoped3A = tpu.sem_alloc : memref<!tpu.dma_semaphore, #tpu.memory_space<semaphore_mem>>
      %dma_start3A_132 = tpu.memref_slice %arg3[%mul3A_0] : memref<2048xi32, #tpu.memory_space<hbm>> -> memref<128xi32, #tpu.memory_space<hbm>>
      %dma_start3A_133 = tpu.memref_slice %arg3[%mul3A_0] : memref<2048xi32, #tpu.memory_space<hbm>> -> memref<128xi32, #tpu.memory_space<hbm>>
      tpu.enqueue_dma source(%dma_start3A_133 : memref<128xi32, #tpu.memory_space<hbm>>) target(%arg7 : memref<128xi32, #tpu.memory_space<vmem>>) target_semaphore(%run_scoped3A : memref<!tpu.dma_semaphore, #tpu.memory_space<semaphore_mem>>)
      %dma_wait3A_134 = tpu.memref_slice %arg3[%mul3A_0] : memref<2048xi32, #tpu.memory_space<hbm>> -> memref<128xi32, #tpu.memory_space<hbm>>
      %dma_wait3A_135 = tpu.memref_slice %arg3[%mul3A_0] : memref<2048xi32, #tpu.memory_space<hbm>> -> memref<128xi32, #tpu.memory_space<hbm>>
      tpu.wait_dma2 semaphore(%run_scoped3A : memref<!tpu.dma_semaphore, #tpu.memory_space<semaphore_mem>>) src(%dma_wait3A_135 : memref<128xi32, #tpu.memory_space<hbm>>) dst(%arg7 : memref<128xi32, #tpu.memory_space<vmem>>)
      tpu.yield
    }) : () -> ()
    %scan3A = arith.constant 0 : i32
    %mul3A_1 = arith.constant 1 : i32
    %mul3A_2 = arith.muli %scan3A, %mul3A_1 : i32
    %add3A = arith.constant 0 : i32
    %add3A_3 = arith.addi %add3A, %mul3A_2 : i32
    %scan3A_4 = arith.constant 0 : i32
    %scan3A_5 = arith.constant 8 : i32
    %scan3A_6 = arith.addi %scan3A_4, %scan3A_5 : i32
    %scan3A_7 = arith.constant 1 : i32
    scf.for %scan3A_132 = %scan3A_4 to %scan3A_6 step %scan3A_7  : i32 {
      %mul3A_133 = arith.constant 16 : i32
      %mul3A_134 = arith.muli %scan3A_132, %mul3A_133 : i32
      %add3A_135 = arith.constant 0 : i32
      %add3A_136 = arith.addi %add3A_135, %mul3A_134 : i32
      %mul3A_137 = arith.constant 128 : i32
      %mul3A_138 = arith.muli %add3A_3, %mul3A_137 : i32
      %add3A_139 = arith.addi %mul3A_138, %add3A_136 : i32
      %get3A = arith.index_cast %add3A_139 : i32 to index
      %get3A_140 = tpu.vector_load %arg6[%get3A] {strides = array<i32>} : memref<128xi32, #tpu.memory_space<vmem>>, vector<16xi32>,
      %get3A_141 = vector.shape_cast %get3A_140 : vector<16xi32> to vector<16xi32>
      %mul3A_142 = arith.constant 2 : i32
      %mul3A_143 = vector.broadcast %mul3A_142 : i32 to vector<16xi32>
      %mul3A_144 = arith.muli %get3A_141, %mul3A_143 : vector<16xi32>
      %get3A_145 = arith.index_cast %add3A_139 : i32 to index
      %get3A_146 = tpu.vector_load %arg7[%get3A_145] {strides = array<i32>} : memref<128xi32, #tpu.memory_space<vmem>>, vector<16xi32>,
      %get3A_147 = vector.shape_cast %get3A_146 : vector<16xi32> to vector<16xi32>
      %add3A_148 = arith.addi %mul3A_144, %get3A_147 : vector<16xi32>
      %swap3A = arith.index_cast %add3A_3 : i32 to index
      %swap3A_149 = arith.index_cast %add3A_136 : i32 to index
      %swap3A_150 = tpu.vector_load %arg8[%swap3A, %swap3A_149] {strides = array<i32>} : memref<1x128xi32, #tpu.memory_space<vmem>>, vector<1x16xi32>,
      %swap3A_151 = vector.shape_cast %swap3A_150 : vector<1x16xi32> to vector<16xi32>
      %swap3A_152 = vector.shape_cast %add3A_148 : vector<16xi32> to vector<1x16xi32>
      tpu.vector_store %arg8[%swap3A, %swap3A_149], %swap3A_152 {strides = array<i32>} : memref<1x128xi32, #tpu.memory_space<vmem>>, vector<1x16xi32>,
    }
    %scan3A_8 = arith.constant 8 : i32
    %scan3A_9 = arith.constant 1 : i32
    %scan3A_10 = arith.constant 0 : i32
    %mul3A_11 = arith.constant 1 : i32
    %mul3A_12 = arith.muli %scan3A_10, %mul3A_11 : i32
    %add3A_13 = arith.constant 0 : i32
    %add3A_14 = arith.addi %add3A_13, %mul3A_12 : i32
    "tpu.region"() ({
      %run_scoped3A = tpu.sem_alloc : memref<!tpu.dma_semaphore, #tpu.memory_space<semaphore_mem>>
      %dma_start3A_132 = arith.constant 0 : i32
      %dma_start3A_133 = tpu.memref_slice %arg9[%add3A_14, %dma_start3A_132] : memref<1x128xf32, #tpu.memory_space<vmem>> -> memref<1x128xf32, #tpu.memory_space<vmem>>
      %dma_start3A_134 = tpu.memref_squeeze %dma_start3A_133 : memref<1x128xf32, #tpu.memory_space<vmem>> -> memref<128xf32, #tpu.memory_space<vmem>>
      %dma_start3A_135 = arith.constant 0 : i32
      %dma_start3A_136 = tpu.memref_slice %arg8[%add3A_14, %dma_start3A_135] : memref<1x128xi32, #tpu.memory_space<vmem>> -> memref<1x128xi32, #tpu.memory_space<vmem>>
      %dma_start3A_137 = tpu.memref_squeeze %dma_start3A_136 : memref<1x128xi32, #tpu.memory_space<vmem>> -> memref<128xi32, #tpu.memory_space<vmem>>
      %dma_start3A_138 = arith.constant 0 : i32
      %dma_start3A_139 = tpu.memref_slice %arg4[%dma_start3A_138] : memref<1108992xf32, #tpu.memory_space<hbm>> -> memref<1108992xf32, #tpu.memory_space<hbm>>
      tpu.enqueue_indirect_dma source(%dma_start3A_139 : memref<1108992xf32, #tpu.memory_space<hbm>>) target(%dma_start3A_134 : memref<128xf32, #tpu.memory_space<vmem>>) offsets(%dma_start3A_137 : memref<128xi32, #tpu.memory_space<vmem>>) semaphore(%run_scoped3A : memref<!tpu.dma_semaphore, #tpu.memory_space<semaphore_mem>>)
      %dma_wait3A_140 = arith.constant 0 : i32
      %dma_wait3A_141 = tpu.memref_slice %arg9[%add3A_14, %dma_wait3A_140] : memref<1x128xf32, #tpu.memory_space<vmem>> -> memref<1x128xf32, #tpu.memory_space<vmem>>
      %dma_wait3A_142 = tpu.memref_squeeze %dma_wait3A_141 : memref<1x128xf32, #tpu.memory_space<vmem>> -> memref<128xf32, #tpu.memory_space<vmem>>
      %dma_wait3A_143 = arith.constant 0 : i32
      %dma_wait3A_144 = tpu.memref_slice %arg8[%add3A_14, %dma_wait3A_143] : memref<1x128xi32, #tpu.memory_space<vmem>> -> memref<1x128xi32, #tpu.memory_space<vmem>>
      %dma_wait3A_145 = tpu.memref_squeeze %dma_wait3A_144 : memref<1x128xi32, #tpu.memory_space<vmem>> -> memref<128xi32, #tpu.memory_space<vmem>>
      %dma_wait3A_146 = arith.constant 0 : i32
      %dma_wait3A_147 = tpu.memref_slice %arg4[%dma_wait3A_146] : memref<1108992xf32, #tpu.memory_space<hbm>> -> memref<1108992xf32, #tpu.memory_space<hbm>>
      tpu.wait_indirect_dma semaphore(%run_scoped3A : memref<!tpu.dma_semaphore, #tpu.memory_space<semaphore_mem>>) src(%dma_wait3A_147 : memref<1108992xf32, #tpu.memory_space<hbm>>) dst(%dma_wait3A_142 : memref<128xf32, #tpu.memory_space<vmem>>)
      tpu.yield
    }) : () -> ()
    %scan3A_15 = arith.constant 1 : i32
    %scan3A_16 = arith.constant 0 : i32
    %scan3A_17 = arith.constant 16 : i32
    %scan3A_18 = arith.addi %scan3A_16, %scan3A_17 : i32
    %scan3A_19 = arith.constant 1 : i32
    scf.for %scan3A_132 = %scan3A_16 to %scan3A_18 step %scan3A_19  : i32 {
      %mul3A_133 = arith.constant 16 : i32
      %mul3A_134 = arith.muli %scan3A_132, %mul3A_133 : i32
      %add3A_135 = arith.constant 0 : i32
      %add3A_136 = arith.addi %add3A_135, %mul3A_134 : i32
      %broadcast_in_dim3A = arith.constant 0.000000e+00 : f32
      %broadcast_in_dim3A_137 = vector.broadcast %broadcast_in_dim3A : f32 to vector<16xf32>
      %swap3A = arith.index_cast %add3A_136 : i32 to index
      %swap3A_138 = tpu.vector_load %arg10[%swap3A] {strides = array<i32>} : memref<256xf32, #tpu.memory_space<vmem>>, vector<16xf32>,
      %swap3A_139 = vector.shape_cast %swap3A_138 : vector<16xf32> to vector<16xf32>
      %swap3A_140 = vector.shape_cast %broadcast_in_dim3A_137 : vector<16xf32> to vector<16xf32>
      tpu.vector_store %arg10[%swap3A], %swap3A_140 {strides = array<i32>} : memref<256xf32, #tpu.memory_space<vmem>>, vector<16xf32>,
    }
    %scan3A_20 = arith.constant 16 : i32
    %mul3A_21 = arith.constant 2 : i32
    %mul3A_22 = arith.muli %arg0, %mul3A_21 : i32
    %add3A_23 = arith.constant 0 : i32
    %add3A_24 = arith.addi %mul3A_22, %add3A_23 : i32
    %mul3A_25 = arith.constant 32 : i32
    %mul3A_26 = arith.muli %add3A_24, %mul3A_25 : i32
    %mul3A_27 = arith.constant 256 : i32
    %mul3A_28 = arith.muli %arg1, %mul3A_27 : i32
    %add3A_29 = arith.constant 0 : i32
    %add3A_30 = arith.addi %mul3A_28, %add3A_29 : i32
    %dma_start3A = tpu.memref_slice %arg12[%add3A_30] : memref<4224xf32, #tpu.memory_space<vmem_shared>> -> memref<256xf32, #tpu.memory_space<vmem_shared>>
    %dma_start3A_31 = tpu.memref_slice %arg12[%add3A_30] : memref<4224xf32, #tpu.memory_space<vmem_shared>> -> memref<256xf32, #tpu.memory_space<vmem_shared>>
    tpu.enqueue_dma source(%arg10 : memref<256xf32, #tpu.memory_space<vmem>>) target(%dma_start3A_31 : memref<256xf32, #tpu.memory_space<vmem_shared>>) target_semaphore(%arg13 : memref<!tpu.dma_semaphore, #tpu.memory_space<semaphore_mem>>)
    %scan3A_32 = arith.constant 0 : i32
    %mul3A_33 = arith.constant 1 : i32
    %mul3A_34 = arith.muli %scan3A_32, %mul3A_33 : i32
    %add3A_35 = arith.constant 0 : i32
    %add3A_36 = arith.addi %add3A_35, %mul3A_34 : i32
    %scan3A_37 = arith.constant 0 : i32
    %scan3A_38 = arith.constant 8 : i32
    %scan3A_39 = arith.addi %scan3A_37, %scan3A_38 : i32
    %scan3A_40 = arith.constant 1 : i32
    scf.for %scan3A_132 = %scan3A_37 to %scan3A_39 step %scan3A_40  : i32 {
      %mul3A_133 = arith.constant 16 : i32
      %mul3A_134 = arith.muli %scan3A_132, %mul3A_133 : i32
      %add3A_135 = arith.constant 0 : i32
      %add3A_136 = arith.addi %add3A_135, %mul3A_134 : i32
      %mul3A_137 = arith.constant 128 : i32
      %mul3A_138 = arith.muli %add3A_36, %mul3A_137 : i32
      %add3A_139 = arith.addi %mul3A_138, %add3A_136 : i32
      %get3A = arith.index_cast %add3A_139 : i32 to index
      %get3A_140 = tpu.vector_load %arg6[%get3A] {strides = array<i32>} : memref<128xi32, #tpu.memory_space<vmem>>, vector<16xi32>,
      %get3A_141 = vector.shape_cast %get3A_140 : vector<16xi32> to vector<16xi32>
      %get3A_142 = arith.index_cast %add3A_139 : i32 to index
      %get3A_143 = tpu.vector_load %arg7[%get3A_142] {strides = array<i32>} : memref<128xi32, #tpu.memory_space<vmem>>, vector<16xi32>,
      %get3A_144 = vector.shape_cast %get3A_143 : vector<16xi32> to vector<16xi32>
      %sub3A = vector.broadcast %mul3A_26 : i32 to vector<16xi32>
      %sub3A_145 = arith.subi %get3A_144, %sub3A : vector<16xi32>
      %ge3A = arith.constant 0 : i32
      %ge3A_146 = vector.broadcast %ge3A : i32 to vector<16xi32>
      %ge3A_147 = arith.cmpi sge, %sub3A_145, %ge3A_146 : vector<16xi32>
      %lt3A = arith.constant 32 : i32
      %lt3A_148 = vector.broadcast %lt3A : i32 to vector<16xi32>
      %lt3A_149 = arith.cmpi slt, %sub3A_145, %lt3A_148 : vector<16xi32>
      %and3A = arith.andi %ge3A_147, %lt3A_149 : vector<16xi1>
      %add3A_150 = vector.broadcast %add3A_139 : i32 to vector<16xi32>
      %add3A_151 = arith.addi %get3A_141, %add3A_150 : vector<16xi32>
      %iota3A = tpu.iota {dimensions = array<i32: 0>} : vector<16xi32>
      %add3A_152 = arith.addi %add3A_151, %iota3A : vector<16xi32>
      %and3A_153 = arith.constant 1023 : i32
      %and3A_154 = vector.broadcast %and3A_153 : i32 to vector<16xi32>
      %and3A_155 = arith.andi %add3A_152, %and3A_154 : vector<16xi32>
      %mul3A_156 = arith.constant 128 : i32
      %mul3A_157 = vector.broadcast %mul3A_156 : i32 to vector<16xi32>
      %mul3A_158 = arith.muli %sub3A_145, %mul3A_157 : vector<16xi32>
      %add3A_159 = arith.addi %mul3A_158, %get3A_141 : vector<16xi32>
      %add3A_160 = arith.constant 4096 : i32
      %add3A_161 = vector.broadcast %add3A_160 : i32 to vector<16xi32>
      %add3A_162 = arith.addi %add3A_161, %and3A_155 : vector<16xi32>
      %select_n3A = arith.select %and3A, %add3A_159, %add3A_162 : vector<16xi1>, vector<16xi32>
      %swap3A = arith.index_cast %add3A_36 : i32 to index
      %swap3A_163 = arith.index_cast %add3A_136 : i32 to index
      %swap3A_164 = tpu.vector_load %arg8[%swap3A, %swap3A_163] {strides = array<i32>} : memref<1x128xi32, #tpu.memory_space<vmem>>, vector<1x16xi32>,
      %swap3A_165 = vector.shape_cast %swap3A_164 : vector<1x16xi32> to vector<16xi32>
      %swap3A_166 = vector.shape_cast %select_n3A : vector<16xi32> to vector<1x16xi32>
      tpu.vector_store %arg8[%swap3A, %swap3A_163], %swap3A_166 {strides = array<i32>} : memref<1x128xi32, #tpu.memory_space<vmem>>, vector<1x16xi32>,
    }
    %scan3A_41 = arith.constant 8 : i32
    %scan3A_42 = arith.constant 1 : i32
    %dma_wait3A = tpu.memref_slice %arg12[%add3A_30] : memref<4224xf32, #tpu.memory_space<vmem_shared>> -> memref<256xf32, #tpu.memory_space<vmem_shared>>
    %dma_wait3A_43 = tpu.memref_slice %arg12[%add3A_30] : memref<4224xf32, #tpu.memory_space<vmem_shared>> -> memref<256xf32, #tpu.memory_space<vmem_shared>>
    tpu.wait_dma2 semaphore(%arg13 : memref<!tpu.dma_semaphore, #tpu.memory_space<semaphore_mem>>) src(%arg10 : memref<256xf32, #tpu.memory_space<vmem>>) dst(%dma_wait3A_43 : memref<256xf32, #tpu.memory_space<vmem_shared>>)
    %barrier3A = arith.constant 0 : index
    tpu.barrier barrier_id(%barrier3A)
    %scan3A_44 = arith.constant 0 : i32
    %mul3A_45 = arith.constant 1 : i32
    %mul3A_46 = arith.muli %scan3A_44, %mul3A_45 : i32
    %add3A_47 = arith.constant 0 : i32
    %add3A_48 = arith.addi %add3A_47, %mul3A_46 : i32
    "tpu.region"() ({
      %run_scoped3A = tpu.sem_alloc : memref<!tpu.dma_semaphore, #tpu.memory_space<semaphore_mem>>
      %dma_start3A_132 = arith.constant 0 : i32
      %dma_start3A_133 = tpu.memref_slice %arg9[%add3A_48, %dma_start3A_132] : memref<1x128xf32, #tpu.memory_space<vmem>> -> memref<1x128xf32, #tpu.memory_space<vmem>>
      %dma_start3A_134 = tpu.memref_squeeze %dma_start3A_133 : memref<1x128xf32, #tpu.memory_space<vmem>> -> memref<128xf32, #tpu.memory_space<vmem>>
      %dma_start3A_135 = arith.constant 0 : i32
      %dma_start3A_136 = tpu.memref_slice %arg8[%add3A_48, %dma_start3A_135] : memref<1x128xi32, #tpu.memory_space<vmem>> -> memref<1x128xi32, #tpu.memory_space<vmem>>
      %dma_start3A_137 = tpu.memref_squeeze %dma_start3A_136 : memref<1x128xi32, #tpu.memory_space<vmem>> -> memref<128xi32, #tpu.memory_space<vmem>>
      %dma_start3A_138 = arith.constant 0 : i32
      %dma_start3A_139 = tpu.memref_slice %arg12[%dma_start3A_138] : memref<4224xf32, #tpu.memory_space<vmem_shared>> -> memref<4224xf32, #tpu.memory_space<vmem_shared>>
      tpu.enqueue_indirect_dma source(%dma_start3A_134 : memref<128xf32, #tpu.memory_space<vmem>>) target(%dma_start3A_139 : memref<4224xf32, #tpu.memory_space<vmem_shared>>) offsets(%dma_start3A_137 : memref<128xi32, #tpu.memory_space<vmem>>) semaphore(%run_scoped3A : memref<!tpu.dma_semaphore, #tpu.memory_space<semaphore_mem>>) {add = true}
      %dma_wait3A_140 = arith.constant 0 : i32
      %dma_wait3A_141 = tpu.memref_slice %arg9[%add3A_48, %dma_wait3A_140] : memref<1x128xf32, #tpu.memory_space<vmem>> -> memref<1x128xf32, #tpu.memory_space<vmem>>
      %dma_wait3A_142 = tpu.memref_squeeze %dma_wait3A_141 : memref<1x128xf32, #tpu.memory_space<vmem>> -> memref<128xf32, #tpu.memory_space<vmem>>
      %dma_wait3A_143 = arith.constant 0 : i32
      %dma_wait3A_144 = tpu.memref_slice %arg8[%add3A_48, %dma_wait3A_143] : memref<1x128xi32, #tpu.memory_space<vmem>> -> memref<1x128xi32, #tpu.memory_space<vmem>>
      %dma_wait3A_145 = tpu.memref_squeeze %dma_wait3A_144 : memref<1x128xi32, #tpu.memory_space<vmem>> -> memref<128xi32, #tpu.memory_space<vmem>>
      %dma_wait3A_146 = arith.constant 0 : i32
      %dma_wait3A_147 = tpu.memref_slice %arg12[%dma_wait3A_146] : memref<4224xf32, #tpu.memory_space<vmem_shared>> -> memref<4224xf32, #tpu.memory_space<vmem_shared>>
      tpu.wait_indirect_dma semaphore(%run_scoped3A : memref<!tpu.dma_semaphore, #tpu.memory_space<semaphore_mem>>) src(%dma_wait3A_142 : memref<128xf32, #tpu.memory_space<vmem>>) dst(%dma_wait3A_147 : memref<4224xf32, #tpu.memory_space<vmem_shared>>)
      tpu.yield
    }) : () -> ()
    %scan3A_49 = arith.constant 1 : i32
    %barrier3A_50 = arith.constant 0 : index
    tpu.barrier barrier_id(%barrier3A_50)
    %mul3A_51 = arith.constant 256 : i32
    %mul3A_52 = arith.muli %arg1, %mul3A_51 : i32
    %add3A_53 = arith.constant 0 : i32
    %add3A_54 = arith.addi %mul3A_52, %add3A_53 : i32
    "tpu.region"() ({
      %run_scoped3A = tpu.sem_alloc : memref<!tpu.dma_semaphore, #tpu.memory_space<semaphore_mem>>
      %dma_start3A_132 = arith.constant 0 : i32
      %dma_start3A_133 = tpu.memref_slice %arg11[%dma_start3A_132] : memref<512xf32, #tpu.memory_space<vmem>> -> memref<256xf32, #tpu.memory_space<vmem>>
      %dma_start3A_134 = tpu.memref_slice %arg12[%add3A_54] : memref<4224xf32, #tpu.memory_space<vmem_shared>> -> memref<256xf32, #tpu.memory_space<vmem_shared>>
      %dma_start3A_135 = arith.constant 0 : i32
      %dma_start3A_136 = tpu.memref_slice %arg11[%dma_start3A_135] : memref<512xf32, #tpu.memory_space<vmem>> -> memref<256xf32, #tpu.memory_space<vmem>>
      %dma_start3A_137 = tpu.memref_slice %arg12[%add3A_54] : memref<4224xf32, #tpu.memory_space<vmem_shared>> -> memref<256xf32, #tpu.memory_space<vmem_shared>>
      tpu.enqueue_dma source(%dma_start3A_137 : memref<256xf32, #tpu.memory_space<vmem_shared>>) target(%dma_start3A_136 : memref<256xf32, #tpu.memory_space<vmem>>) target_semaphore(%run_scoped3A : memref<!tpu.dma_semaphore, #tpu.memory_space<semaphore_mem>>)
      %dma_wait3A_138 = arith.constant 0 : i32
      %dma_wait3A_139 = tpu.memref_slice %arg11[%dma_wait3A_138] : memref<512xf32, #tpu.memory_space<vmem>> -> memref<256xf32, #tpu.memory_space<vmem>>
      %dma_wait3A_140 = tpu.memref_slice %arg12[%add3A_54] : memref<4224xf32, #tpu.memory_space<vmem_shared>> -> memref<256xf32, #tpu.memory_space<vmem_shared>>
      %dma_wait3A_141 = arith.constant 0 : i32
      %dma_wait3A_142 = tpu.memref_slice %arg11[%dma_wait3A_141] : memref<512xf32, #tpu.memory_space<vmem>> -> memref<256xf32, #tpu.memory_space<vmem>>
      %dma_wait3A_143 = tpu.memref_slice %arg12[%add3A_54] : memref<4224xf32, #tpu.memory_space<vmem_shared>> -> memref<256xf32, #tpu.memory_space<vmem_shared>>
      tpu.wait_dma2 semaphore(%run_scoped3A : memref<!tpu.dma_semaphore, #tpu.memory_space<semaphore_mem>>) src(%dma_wait3A_143 : memref<256xf32, #tpu.memory_space<vmem_shared>>) dst(%dma_wait3A_142 : memref<256xf32, #tpu.memory_space<vmem>>)
      tpu.yield
    }) : () -> ()
    %mul3A_55 = arith.constant 128 : i32
    %mul3A_56 = arith.muli %mul3A_26, %mul3A_55 : i32
    %mul3A_57 = arith.constant 256 : i32
    %mul3A_58 = arith.muli %arg1, %mul3A_57 : i32
    %add3A_59 = arith.addi %mul3A_56, %mul3A_58 : i32
    %add3A_60 = arith.constant 0 : i32
    %add3A_61 = arith.addi %add3A_59, %add3A_60 : i32
    %dma_start3A_62 = arith.constant 0 : i32
    %dma_start3A_63 = tpu.memref_slice %arg11[%dma_start3A_62] : memref<512xf32, #tpu.memory_space<vmem>> -> memref<256xf32, #tpu.memory_space<vmem>>
    %dma_start3A_64 = tpu.memref_slice %arg5[%add3A_61] : memref<16384xf32, #tpu.memory_space<hbm>> -> memref<256xf32, #tpu.memory_space<hbm>>
    %dma_start3A_65 = tpu.memref_slice %arg5[%add3A_61] : memref<16384xf32, #tpu.memory_space<hbm>> -> memref<256xf32, #tpu.memory_space<hbm>>
    %dma_start3A_66 = arith.constant 0 : i32
    %dma_start3A_67 = tpu.memref_slice %arg11[%dma_start3A_66] : memref<512xf32, #tpu.memory_space<vmem>> -> memref<256xf32, #tpu.memory_space<vmem>>
    tpu.enqueue_dma source(%dma_start3A_67 : memref<256xf32, #tpu.memory_space<vmem>>) target(%dma_start3A_65 : memref<256xf32, #tpu.memory_space<hbm>>) target_semaphore(%arg14 : memref<!tpu.dma_semaphore, #tpu.memory_space<semaphore_mem>>)
    %dma_wait3A_68 = arith.constant 0 : i32
    %dma_wait3A_69 = tpu.memref_slice %arg11[%dma_wait3A_68] : memref<512xf32, #tpu.memory_space<vmem>> -> memref<256xf32, #tpu.memory_space<vmem>>
    %dma_wait3A_70 = tpu.memref_slice %arg5[%add3A_61] : memref<16384xf32, #tpu.memory_space<hbm>> -> memref<256xf32, #tpu.memory_space<hbm>>
    %dma_wait3A_71 = tpu.memref_slice %arg5[%add3A_61] : memref<16384xf32, #tpu.memory_space<hbm>> -> memref<256xf32, #tpu.memory_space<hbm>>
    %dma_wait3A_72 = arith.constant 0 : i32
    %dma_wait3A_73 = tpu.memref_slice %arg11[%dma_wait3A_72] : memref<512xf32, #tpu.memory_space<vmem>> -> memref<256xf32, #tpu.memory_space<vmem>>
    tpu.wait_dma2 semaphore(%arg14 : memref<!tpu.dma_semaphore, #tpu.memory_space<semaphore_mem>>) src(%dma_wait3A_73 : memref<256xf32, #tpu.memory_space<vmem>>) dst(%dma_wait3A_71 : memref<256xf32, #tpu.memory_space<hbm>>)
    %barrier3A_74 = arith.constant 0 : index
    tpu.barrier barrier_id(%barrier3A_74)
    %mul3A_75 = arith.constant 2 : i32
    %mul3A_76 = arith.muli %arg0, %mul3A_75 : i32
    %add3A_77 = arith.constant 1 : i32
    %add3A_78 = arith.addi %mul3A_76, %add3A_77 : i32
    %mul3A_79 = arith.constant 32 : i32
    %mul3A_80 = arith.muli %add3A_78, %mul3A_79 : i32
    %mul3A_81 = arith.constant 256 : i32
    %mul3A_82 = arith.muli %arg1, %mul3A_81 : i32
    %add3A_83 = arith.constant 0 : i32
    %add3A_84 = arith.addi %mul3A_82, %add3A_83 : i32
    %dma_start3A_85 = tpu.memref_slice %arg12[%add3A_84] : memref<4224xf32, #tpu.memory_space<vmem_shared>> -> memref<256xf32, #tpu.memory_space<vmem_shared>>
    %dma_start3A_86 = tpu.memref_slice %arg12[%add3A_84] : memref<4224xf32, #tpu.memory_space<vmem_shared>> -> memref<256xf32, #tpu.memory_space<vmem_shared>>
    tpu.enqueue_dma source(%arg10 : memref<256xf32, #tpu.memory_space<vmem>>) target(%dma_start3A_86 : memref<256xf32, #tpu.memory_space<vmem_shared>>) target_semaphore(%arg13 : memref<!tpu.dma_semaphore, #tpu.memory_space<semaphore_mem>>)
    %scan3A_87 = arith.constant 0 : i32
    %mul3A_88 = arith.constant 1 : i32
    %mul3A_89 = arith.muli %scan3A_87, %mul3A_88 : i32
    %add3A_90 = arith.constant 0 : i32
    %add3A_91 = arith.addi %add3A_90, %mul3A_89 : i32
    %scan3A_92 = arith.constant 0 : i32
    %scan3A_93 = arith.constant 8 : i32
    %scan3A_94 = arith.addi %scan3A_92, %scan3A_93 : i32
    %scan3A_95 = arith.constant 1 : i32
    scf.for %scan3A_132 = %scan3A_92 to %scan3A_94 step %scan3A_95  : i32 {
      %mul3A_133 = arith.constant 16 : i32
      %mul3A_134 = arith.muli %scan3A_132, %mul3A_133 : i32
      %add3A_135 = arith.constant 0 : i32
      %add3A_136 = arith.addi %add3A_135, %mul3A_134 : i32
      %mul3A_137 = arith.constant 128 : i32
      %mul3A_138 = arith.muli %add3A_91, %mul3A_137 : i32
      %add3A_139 = arith.addi %mul3A_138, %add3A_136 : i32
      %get3A = arith.index_cast %add3A_139 : i32 to index
      %get3A_140 = tpu.vector_load %arg6[%get3A] {strides = array<i32>} : memref<128xi32, #tpu.memory_space<vmem>>, vector<16xi32>,
      %get3A_141 = vector.shape_cast %get3A_140 : vector<16xi32> to vector<16xi32>
      %get3A_142 = arith.index_cast %add3A_139 : i32 to index
      %get3A_143 = tpu.vector_load %arg7[%get3A_142] {strides = array<i32>} : memref<128xi32, #tpu.memory_space<vmem>>, vector<16xi32>,
      %get3A_144 = vector.shape_cast %get3A_143 : vector<16xi32> to vector<16xi32>
      %sub3A = vector.broadcast %mul3A_80 : i32 to vector<16xi32>
      %sub3A_145 = arith.subi %get3A_144, %sub3A : vector<16xi32>
      %ge3A = arith.constant 0 : i32
      %ge3A_146 = vector.broadcast %ge3A : i32 to vector<16xi32>
      %ge3A_147 = arith.cmpi sge, %sub3A_145, %ge3A_146 : vector<16xi32>
      %lt3A = arith.constant 32 : i32
      %lt3A_148 = vector.broadcast %lt3A : i32 to vector<16xi32>
      %lt3A_149 = arith.cmpi slt, %sub3A_145, %lt3A_148 : vector<16xi32>
      %and3A = arith.andi %ge3A_147, %lt3A_149 : vector<16xi1>
      %add3A_150 = vector.broadcast %add3A_139 : i32 to vector<16xi32>
      %add3A_151 = arith.addi %get3A_141, %add3A_150 : vector<16xi32>
      %iota3A = tpu.iota {dimensions = array<i32: 0>} : vector<16xi32>
      %add3A_152 = arith.addi %add3A_151, %iota3A : vector<16xi32>
      %and3A_153 = arith.constant 1023 : i32
      %and3A_154 = vector.broadcast %and3A_153 : i32 to vector<16xi32>
      %and3A_155 = arith.andi %add3A_152, %and3A_154 : vector<16xi32>
      %mul3A_156 = arith.constant 128 : i32
      %mul3A_157 = vector.broadcast %mul3A_156 : i32 to vector<16xi32>
      %mul3A_158 = arith.muli %sub3A_145, %mul3A_157 : vector<16xi32>
      %add3A_159 = arith.addi %mul3A_158, %get3A_141 : vector<16xi32>
      %add3A_160 = arith.constant 4096 : i32
      %add3A_161 = vector.broadcast %add3A_160 : i32 to vector<16xi32>
      %add3A_162 = arith.addi %add3A_161, %and3A_155 : vector<16xi32>
      %select_n3A = arith.select %and3A, %add3A_159, %add3A_162 : vector<16xi1>, vector<16xi32>
      %swap3A = arith.index_cast %add3A_91 : i32 to index
      %swap3A_163 = arith.index_cast %add3A_136 : i32 to index
      %swap3A_164 = tpu.vector_load %arg8[%swap3A, %swap3A_163] {strides = array<i32>} : memref<1x128xi32, #tpu.memory_space<vmem>>, vector<1x16xi32>,
      %swap3A_165 = vector.shape_cast %swap3A_164 : vector<1x16xi32> to vector<16xi32>
      %swap3A_166 = vector.shape_cast %select_n3A : vector<16xi32> to vector<1x16xi32>
      tpu.vector_store %arg8[%swap3A, %swap3A_163], %swap3A_166 {strides = array<i32>} : memref<1x128xi32, #tpu.memory_space<vmem>>, vector<1x16xi32>,
    }
    %scan3A_96 = arith.constant 8 : i32
    %scan3A_97 = arith.constant 1 : i32
    %dma_wait3A_98 = tpu.memref_slice %arg12[%add3A_84] : memref<4224xf32, #tpu.memory_space<vmem_shared>> -> memref<256xf32, #tpu.memory_space<vmem_shared>>
    %dma_wait3A_99 = tpu.memref_slice %arg12[%add3A_84] : memref<4224xf32, #tpu.memory_space<vmem_shared>> -> memref<256xf32, #tpu.memory_space<vmem_shared>>
    tpu.wait_dma2 semaphore(%arg13 : memref<!tpu.dma_semaphore, #tpu.memory_space<semaphore_mem>>) src(%arg10 : memref<256xf32, #tpu.memory_space<vmem>>) dst(%dma_wait3A_99 : memref<256xf32, #tpu.memory_space<vmem_shared>>)
    %barrier3A_100 = arith.constant 0 : index
    tpu.barrier barrier_id(%barrier3A_100)
    %scan3A_101 = arith.constant 0 : i32
    %mul3A_102 = arith.constant 1 : i32
    %mul3A_103 = arith.muli %scan3A_101, %mul3A_102 : i32
    %add3A_104 = arith.constant 0 : i32
    %add3A_105 = arith.addi %add3A_104, %mul3A_103 : i32
    "tpu.region"() ({
      %run_scoped3A = tpu.sem_alloc : memref<!tpu.dma_semaphore, #tpu.memory_space<semaphore_mem>>
      %dma_start3A_132 = arith.constant 0 : i32
      %dma_start3A_133 = tpu.memref_slice %arg9[%add3A_105, %dma_start3A_132] : memref<1x128xf32, #tpu.memory_space<vmem>> -> memref<1x128xf32, #tpu.memory_space<vmem>>
      %dma_start3A_134 = tpu.memref_squeeze %dma_start3A_133 : memref<1x128xf32, #tpu.memory_space<vmem>> -> memref<128xf32, #tpu.memory_space<vmem>>
      %dma_start3A_135 = arith.constant 0 : i32
      %dma_start3A_136 = tpu.memref_slice %arg8[%add3A_105, %dma_start3A_135] : memref<1x128xi32, #tpu.memory_space<vmem>> -> memref<1x128xi32, #tpu.memory_space<vmem>>
      %dma_start3A_137 = tpu.memref_squeeze %dma_start3A_136 : memref<1x128xi32, #tpu.memory_space<vmem>> -> memref<128xi32, #tpu.memory_space<vmem>>
      %dma_start3A_138 = arith.constant 0 : i32
      %dma_start3A_139 = tpu.memref_slice %arg12[%dma_start3A_138] : memref<4224xf32, #tpu.memory_space<vmem_shared>> -> memref<4224xf32, #tpu.memory_space<vmem_shared>>
      tpu.enqueue_indirect_dma source(%dma_start3A_134 : memref<128xf32, #tpu.memory_space<vmem>>) target(%dma_start3A_139 : memref<4224xf32, #tpu.memory_space<vmem_shared>>) offsets(%dma_start3A_137 : memref<128xi32, #tpu.memory_space<vmem>>) semaphore(%run_scoped3A : memref<!tpu.dma_semaphore, #tpu.memory_space<semaphore_mem>>) {add = true}
      %dma_wait3A_140 = arith.constant 0 : i32
      %dma_wait3A_141 = tpu.memref_slice %arg9[%add3A_105, %dma_wait3A_140] : memref<1x128xf32, #tpu.memory_space<vmem>> -> memref<1x128xf32, #tpu.memory_space<vmem>>
      %dma_wait3A_142 = tpu.memref_squeeze %dma_wait3A_141 : memref<1x128xf32, #tpu.memory_space<vmem>> -> memref<128xf32, #tpu.memory_space<vmem>>
      %dma_wait3A_143 = arith.constant 0 : i32
      %dma_wait3A_144 = tpu.memref_slice %arg8[%add3A_105, %dma_wait3A_143] : memref<1x128xi32, #tpu.memory_space<vmem>> -> memref<1x128xi32, #tpu.memory_space<vmem>>
      %dma_wait3A_145 = tpu.memref_squeeze %dma_wait3A_144 : memref<1x128xi32, #tpu.memory_space<vmem>> -> memref<128xi32, #tpu.memory_space<vmem>>
      %dma_wait3A_146 = arith.constant 0 : i32
      %dma_wait3A_147 = tpu.memref_slice %arg12[%dma_wait3A_146] : memref<4224xf32, #tpu.memory_space<vmem_shared>> -> memref<4224xf32, #tpu.memory_space<vmem_shared>>
      tpu.wait_indirect_dma semaphore(%run_scoped3A : memref<!tpu.dma_semaphore, #tpu.memory_space<semaphore_mem>>) src(%dma_wait3A_142 : memref<128xf32, #tpu.memory_space<vmem>>) dst(%dma_wait3A_147 : memref<4224xf32, #tpu.memory_space<vmem_shared>>)
      tpu.yield
    }) : () -> ()
    %scan3A_106 = arith.constant 1 : i32
    %barrier3A_107 = arith.constant 0 : index
    tpu.barrier barrier_id(%barrier3A_107)
    %mul3A_108 = arith.constant 256 : i32
    %mul3A_109 = arith.muli %arg1, %mul3A_108 : i32
    %add3A_110 = arith.constant 0 : i32
    %add3A_111 = arith.addi %mul3A_109, %add3A_110 : i32
    "tpu.region"() ({
      %run_scoped3A = tpu.sem_alloc : memref<!tpu.dma_semaphore, #tpu.memory_space<semaphore_mem>>
      %dma_start3A_132 = arith.constant 0 : i32
      %dma_start3A_133 = tpu.memref_slice %arg11[%dma_start3A_132] : memref<512xf32, #tpu.memory_space<vmem>> -> memref<256xf32, #tpu.memory_space<vmem>>
      %dma_start3A_134 = tpu.memref_slice %arg12[%add3A_111] : memref<4224xf32, #tpu.memory_space<vmem_shared>> -> memref<256xf32, #tpu.memory_space<vmem_shared>>
      %dma_start3A_135 = arith.constant 0 : i32
      %dma_start3A_136 = tpu.memref_slice %arg11[%dma_start3A_135] : memref<512xf32, #tpu.memory_space<vmem>> -> memref<256xf32, #tpu.memory_space<vmem>>
      %dma_start3A_137 = tpu.memref_slice %arg12[%add3A_111] : memref<4224xf32, #tpu.memory_space<vmem_shared>> -> memref<256xf32, #tpu.memory_space<vmem_shared>>
      tpu.enqueue_dma source(%dma_start3A_137 : memref<256xf32, #tpu.memory_space<vmem_shared>>) target(%dma_start3A_136 : memref<256xf32, #tpu.memory_space<vmem>>) target_semaphore(%run_scoped3A : memref<!tpu.dma_semaphore, #tpu.memory_space<semaphore_mem>>)
      %dma_wait3A_138 = arith.constant 0 : i32
      %dma_wait3A_139 = tpu.memref_slice %arg11[%dma_wait3A_138] : memref<512xf32, #tpu.memory_space<vmem>> -> memref<256xf32, #tpu.memory_space<vmem>>
      %dma_wait3A_140 = tpu.memref_slice %arg12[%add3A_111] : memref<4224xf32, #tpu.memory_space<vmem_shared>> -> memref<256xf32, #tpu.memory_space<vmem_shared>>
      %dma_wait3A_141 = arith.constant 0 : i32
      %dma_wait3A_142 = tpu.memref_slice %arg11[%dma_wait3A_141] : memref<512xf32, #tpu.memory_space<vmem>> -> memref<256xf32, #tpu.memory_space<vmem>>
      %dma_wait3A_143 = tpu.memref_slice %arg12[%add3A_111] : memref<4224xf32, #tpu.memory_space<vmem_shared>> -> memref<256xf32, #tpu.memory_space<vmem_shared>>
      tpu.wait_dma2 semaphore(%run_scoped3A : memref<!tpu.dma_semaphore, #tpu.memory_space<semaphore_mem>>) src(%dma_wait3A_143 : memref<256xf32, #tpu.memory_space<vmem_shared>>) dst(%dma_wait3A_142 : memref<256xf32, #tpu.memory_space<vmem>>)
      tpu.yield
    }) : () -> ()
    %mul3A_112 = arith.constant 128 : i32
    %mul3A_113 = arith.muli %mul3A_80, %mul3A_112 : i32
    %mul3A_114 = arith.constant 256 : i32
    %mul3A_115 = arith.muli %arg1, %mul3A_114 : i32
    %add3A_116 = arith.addi %mul3A_113, %mul3A_115 : i32
    %add3A_117 = arith.constant 0 : i32
    %add3A_118 = arith.addi %add3A_116, %add3A_117 : i32
    %dma_start3A_119 = arith.constant 0 : i32
    %dma_start3A_120 = tpu.memref_slice %arg11[%dma_start3A_119] : memref<512xf32, #tpu.memory_space<vmem>> -> memref<256xf32, #tpu.memory_space<vmem>>
    %dma_start3A_121 = tpu.memref_slice %arg5[%add3A_118] : memref<16384xf32, #tpu.memory_space<hbm>> -> memref<256xf32, #tpu.memory_space<hbm>>
    %dma_start3A_122 = tpu.memref_slice %arg5[%add3A_118] : memref<16384xf32, #tpu.memory_space<hbm>> -> memref<256xf32, #tpu.memory_space<hbm>>
    %dma_start3A_123 = arith.constant 0 : i32
    %dma_start3A_124 = tpu.memref_slice %arg11[%dma_start3A_123] : memref<512xf32, #tpu.memory_space<vmem>> -> memref<256xf32, #tpu.memory_space<vmem>>
    tpu.enqueue_dma source(%dma_start3A_124 : memref<256xf32, #tpu.memory_space<vmem>>) target(%dma_start3A_122 : memref<256xf32, #tpu.memory_space<hbm>>) target_semaphore(%arg14 : memref<!tpu.dma_semaphore, #tpu.memory_space<semaphore_mem>>)
    %dma_wait3A_125 = arith.constant 0 : i32
    %dma_wait3A_126 = tpu.memref_slice %arg11[%dma_wait3A_125] : memref<512xf32, #tpu.memory_space<vmem>> -> memref<256xf32, #tpu.memory_space<vmem>>
    %dma_wait3A_127 = tpu.memref_slice %arg5[%add3A_118] : memref<16384xf32, #tpu.memory_space<hbm>> -> memref<256xf32, #tpu.memory_space<hbm>>
    %dma_wait3A_128 = tpu.memref_slice %arg5[%add3A_118] : memref<16384xf32, #tpu.memory_space<hbm>> -> memref<256xf32, #tpu.memory_space<hbm>>
    %dma_wait3A_129 = arith.constant 0 : i32
    %dma_wait3A_130 = tpu.memref_slice %arg11[%dma_wait3A_129] : memref<512xf32, #tpu.memory_space<vmem>> -> memref<256xf32, #tpu.memory_space<vmem>>
    tpu.wait_dma2 semaphore(%arg14 : memref<!tpu.dma_semaphore, #tpu.memory_space<semaphore_mem>>) src(%dma_wait3A_130 : memref<256xf32, #tpu.memory_space<vmem>>) dst(%dma_wait3A_128 : memref<256xf32, #tpu.memory_space<hbm>>)
    %barrier3A_131 = arith.constant 0 : index
    tpu.barrier barrier_id(%barrier3A_131)
    return
  }
}

#map = affine_map<(d0, d1) -> (0)>
module attributes {stable_mosaic.version = 14 : i64} {
  func.func @_sc_body(%arg0: i32, %arg1: i32, %arg2: memref<2048xi32, #tpu.memory_space<hbm>>, %arg3: memref<2048xi32, #tpu.memory_space<hbm>>, %arg4: memref<4691556xf32, #tpu.memory_space<hbm>>, %arg5: memref<16384xf32, #tpu.memory_space<hbm>>, %arg6: memref<128xi32, #tpu.memory_space<vmem>>, %arg7: memref<128xi32, #tpu.memory_space<vmem>>, %arg8: memref<1x128xi32, #tpu.memory_space<vmem>>, %arg9: memref<1x128xf32, #tpu.memory_space<vmem>>, %arg10: memref<512xf32, #tpu.memory_space<vmem>>, %arg11: memref<1024xf32, #tpu.memory_space<vmem>>, %arg12: memref<8320xf32, #tpu.memory_space<vmem_shared>>, %arg13: memref<!tpu.dma_semaphore, #tpu.memory_space<semaphore_mem>>, %arg14: memref<!tpu.dma_semaphore, #tpu.memory_space<semaphore_mem>>, %arg15: memref<!tpu.dma_semaphore, #tpu.memory_space<semaphore_mem>>) attributes {dimension_semantics = [#tpu.dimension_semantics<core_parallel>, #tpu.dimension_semantics<subcore_parallel>], iteration_bounds = array<i64: 2, 16>, scalar_prefetch = 0 : i64, scratch_operands = 10 : i64, tpu.core_type = #tpu.core_type<sc_vector_subcore>, window_params = [{transform_indices = #map}, {transform_indices = #map}, {transform_indices = #map}, {transform_indices = #map}]} {
    %mul3A = arith.constant 128 : i32
    %mul3A_0 = arith.muli %arg1, %mul3A : i32
    "tpu.region"() ({
      %run_scoped3A = tpu.sem_alloc : memref<!tpu.dma_semaphore, #tpu.memory_space<semaphore_mem>>
      %dma_start3A_75 = tpu.memref_slice %arg2[%mul3A_0] : memref<2048xi32, #tpu.memory_space<hbm>> -> memref<128xi32, #tpu.memory_space<hbm>>
      %dma_start3A_76 = tpu.memref_slice %arg2[%mul3A_0] : memref<2048xi32, #tpu.memory_space<hbm>> -> memref<128xi32, #tpu.memory_space<hbm>>
      tpu.enqueue_dma source(%dma_start3A_76 : memref<128xi32, #tpu.memory_space<hbm>>) target(%arg6 : memref<128xi32, #tpu.memory_space<vmem>>) target_semaphore(%run_scoped3A : memref<!tpu.dma_semaphore, #tpu.memory_space<semaphore_mem>>)
      %dma_wait3A_77 = tpu.memref_slice %arg2[%mul3A_0] : memref<2048xi32, #tpu.memory_space<hbm>> -> memref<128xi32, #tpu.memory_space<hbm>>
      %dma_wait3A_78 = tpu.memref_slice %arg2[%mul3A_0] : memref<2048xi32, #tpu.memory_space<hbm>> -> memref<128xi32, #tpu.memory_space<hbm>>
      tpu.wait_dma2 semaphore(%run_scoped3A : memref<!tpu.dma_semaphore, #tpu.memory_space<semaphore_mem>>) src(%dma_wait3A_78 : memref<128xi32, #tpu.memory_space<hbm>>) dst(%arg6 : memref<128xi32, #tpu.memory_space<vmem>>)
      tpu.yield
    }) : () -> ()
    "tpu.region"() ({
      %run_scoped3A = tpu.sem_alloc : memref<!tpu.dma_semaphore, #tpu.memory_space<semaphore_mem>>
      %dma_start3A_75 = tpu.memref_slice %arg3[%mul3A_0] : memref<2048xi32, #tpu.memory_space<hbm>> -> memref<128xi32, #tpu.memory_space<hbm>>
      %dma_start3A_76 = tpu.memref_slice %arg3[%mul3A_0] : memref<2048xi32, #tpu.memory_space<hbm>> -> memref<128xi32, #tpu.memory_space<hbm>>
      tpu.enqueue_dma source(%dma_start3A_76 : memref<128xi32, #tpu.memory_space<hbm>>) target(%arg7 : memref<128xi32, #tpu.memory_space<vmem>>) target_semaphore(%run_scoped3A : memref<!tpu.dma_semaphore, #tpu.memory_space<semaphore_mem>>)
      %dma_wait3A_77 = tpu.memref_slice %arg3[%mul3A_0] : memref<2048xi32, #tpu.memory_space<hbm>> -> memref<128xi32, #tpu.memory_space<hbm>>
      %dma_wait3A_78 = tpu.memref_slice %arg3[%mul3A_0] : memref<2048xi32, #tpu.memory_space<hbm>> -> memref<128xi32, #tpu.memory_space<hbm>>
      tpu.wait_dma2 semaphore(%run_scoped3A : memref<!tpu.dma_semaphore, #tpu.memory_space<semaphore_mem>>) src(%dma_wait3A_78 : memref<128xi32, #tpu.memory_space<hbm>>) dst(%arg7 : memref<128xi32, #tpu.memory_space<vmem>>)
      tpu.yield
    }) : () -> ()
    %scan3A = arith.constant 0 : i32
    %mul3A_1 = arith.constant 1 : i32
    %mul3A_2 = arith.muli %scan3A, %mul3A_1 : i32
    %add3A = arith.constant 0 : i32
    %add3A_3 = arith.addi %add3A, %mul3A_2 : i32
    %scan3A_4 = arith.constant 0 : i32
    %scan3A_5 = arith.constant 8 : i32
    %scan3A_6 = arith.addi %scan3A_4, %scan3A_5 : i32
    %scan3A_7 = arith.constant 1 : i32
    scf.for %scan3A_75 = %scan3A_4 to %scan3A_6 step %scan3A_7  : i32 {
      %mul3A_76 = arith.constant 16 : i32
      %mul3A_77 = arith.muli %scan3A_75, %mul3A_76 : i32
      %add3A_78 = arith.constant 0 : i32
      %add3A_79 = arith.addi %add3A_78, %mul3A_77 : i32
      %mul3A_80 = arith.constant 128 : i32
      %mul3A_81 = arith.muli %add3A_3, %mul3A_80 : i32
      %add3A_82 = arith.addi %mul3A_81, %add3A_79 : i32
      %get3A = arith.index_cast %add3A_82 : i32 to index
      %get3A_83 = tpu.vector_load %arg6[%get3A] {strides = array<i32>} : memref<128xi32, #tpu.memory_space<vmem>>, vector<16xi32>,
      %get3A_84 = vector.shape_cast %get3A_83 : vector<16xi32> to vector<16xi32>
      %mul3A_85 = arith.constant 2 : i32
      %mul3A_86 = vector.broadcast %mul3A_85 : i32 to vector<16xi32>
      %mul3A_87 = arith.muli %get3A_84, %mul3A_86 : vector<16xi32>
      %get3A_88 = arith.index_cast %add3A_82 : i32 to index
      %get3A_89 = tpu.vector_load %arg7[%get3A_88] {strides = array<i32>} : memref<128xi32, #tpu.memory_space<vmem>>, vector<16xi32>,
      %get3A_90 = vector.shape_cast %get3A_89 : vector<16xi32> to vector<16xi32>
      %add3A_91 = arith.addi %mul3A_87, %get3A_90 : vector<16xi32>
      %swap3A = arith.index_cast %add3A_3 : i32 to index
      %swap3A_92 = arith.index_cast %add3A_79 : i32 to index
      %swap3A_93 = tpu.vector_load %arg8[%swap3A, %swap3A_92] {strides = array<i32>} : memref<1x128xi32, #tpu.memory_space<vmem>>, vector<1x16xi32>,
      %swap3A_94 = vector.shape_cast %swap3A_93 : vector<1x16xi32> to vector<16xi32>
      %swap3A_95 = vector.shape_cast %add3A_91 : vector<16xi32> to vector<1x16xi32>
      tpu.vector_store %arg8[%swap3A, %swap3A_92], %swap3A_95 {strides = array<i32>} : memref<1x128xi32, #tpu.memory_space<vmem>>, vector<1x16xi32>,
    }
    %scan3A_8 = arith.constant 8 : i32
    %scan3A_9 = arith.constant 1 : i32
    %scan3A_10 = arith.constant 0 : i32
    %mul3A_11 = arith.constant 1 : i32
    %mul3A_12 = arith.muli %scan3A_10, %mul3A_11 : i32
    %add3A_13 = arith.constant 0 : i32
    %add3A_14 = arith.addi %add3A_13, %mul3A_12 : i32
    "tpu.region"() ({
      %run_scoped3A = tpu.sem_alloc : memref<!tpu.dma_semaphore, #tpu.memory_space<semaphore_mem>>
      %dma_start3A_75 = arith.constant 0 : i32
      %dma_start3A_76 = tpu.memref_slice %arg9[%add3A_14, %dma_start3A_75] : memref<1x128xf32, #tpu.memory_space<vmem>> -> memref<1x128xf32, #tpu.memory_space<vmem>>
      %dma_start3A_77 = tpu.memref_squeeze %dma_start3A_76 : memref<1x128xf32, #tpu.memory_space<vmem>> -> memref<128xf32, #tpu.memory_space<vmem>>
      %dma_start3A_78 = arith.constant 0 : i32
      %dma_start3A_79 = tpu.memref_slice %arg8[%add3A_14, %dma_start3A_78] : memref<1x128xi32, #tpu.memory_space<vmem>> -> memref<1x128xi32, #tpu.memory_space<vmem>>
      %dma_start3A_80 = tpu.memref_squeeze %dma_start3A_79 : memref<1x128xi32, #tpu.memory_space<vmem>> -> memref<128xi32, #tpu.memory_space<vmem>>
      %dma_start3A_81 = arith.constant 0 : i32
      %dma_start3A_82 = tpu.memref_slice %arg4[%dma_start3A_81] : memref<4691556xf32, #tpu.memory_space<hbm>> -> memref<4691556xf32, #tpu.memory_space<hbm>>
      tpu.enqueue_indirect_dma source(%dma_start3A_82 : memref<4691556xf32, #tpu.memory_space<hbm>>) target(%dma_start3A_77 : memref<128xf32, #tpu.memory_space<vmem>>) offsets(%dma_start3A_80 : memref<128xi32, #tpu.memory_space<vmem>>) semaphore(%run_scoped3A : memref<!tpu.dma_semaphore, #tpu.memory_space<semaphore_mem>>)
      %dma_wait3A_83 = arith.constant 0 : i32
      %dma_wait3A_84 = tpu.memref_slice %arg9[%add3A_14, %dma_wait3A_83] : memref<1x128xf32, #tpu.memory_space<vmem>> -> memref<1x128xf32, #tpu.memory_space<vmem>>
      %dma_wait3A_85 = tpu.memref_squeeze %dma_wait3A_84 : memref<1x128xf32, #tpu.memory_space<vmem>> -> memref<128xf32, #tpu.memory_space<vmem>>
      %dma_wait3A_86 = arith.constant 0 : i32
      %dma_wait3A_87 = tpu.memref_slice %arg8[%add3A_14, %dma_wait3A_86] : memref<1x128xi32, #tpu.memory_space<vmem>> -> memref<1x128xi32, #tpu.memory_space<vmem>>
      %dma_wait3A_88 = tpu.memref_squeeze %dma_wait3A_87 : memref<1x128xi32, #tpu.memory_space<vmem>> -> memref<128xi32, #tpu.memory_space<vmem>>
      %dma_wait3A_89 = arith.constant 0 : i32
      %dma_wait3A_90 = tpu.memref_slice %arg4[%dma_wait3A_89] : memref<4691556xf32, #tpu.memory_space<hbm>> -> memref<4691556xf32, #tpu.memory_space<hbm>>
      tpu.wait_indirect_dma semaphore(%run_scoped3A : memref<!tpu.dma_semaphore, #tpu.memory_space<semaphore_mem>>) src(%dma_wait3A_90 : memref<4691556xf32, #tpu.memory_space<hbm>>) dst(%dma_wait3A_85 : memref<128xf32, #tpu.memory_space<vmem>>)
      tpu.yield
    }) : () -> ()
    %scan3A_15 = arith.constant 1 : i32
    %scan3A_16 = arith.constant 0 : i32
    %scan3A_17 = arith.constant 32 : i32
    %scan3A_18 = arith.addi %scan3A_16, %scan3A_17 : i32
    %scan3A_19 = arith.constant 1 : i32
    scf.for %scan3A_75 = %scan3A_16 to %scan3A_18 step %scan3A_19  : i32 {
      %mul3A_76 = arith.constant 16 : i32
      %mul3A_77 = arith.muli %scan3A_75, %mul3A_76 : i32
      %add3A_78 = arith.constant 0 : i32
      %add3A_79 = arith.addi %add3A_78, %mul3A_77 : i32
      %broadcast_in_dim3A = arith.constant 0.000000e+00 : f32
      %broadcast_in_dim3A_80 = vector.broadcast %broadcast_in_dim3A : f32 to vector<16xf32>
      %swap3A = arith.index_cast %add3A_79 : i32 to index
      %swap3A_81 = tpu.vector_load %arg10[%swap3A] {strides = array<i32>} : memref<512xf32, #tpu.memory_space<vmem>>, vector<16xf32>,
      %swap3A_82 = vector.shape_cast %swap3A_81 : vector<16xf32> to vector<16xf32>
      %swap3A_83 = vector.shape_cast %broadcast_in_dim3A_80 : vector<16xf32> to vector<16xf32>
      tpu.vector_store %arg10[%swap3A], %swap3A_83 {strides = array<i32>} : memref<512xf32, #tpu.memory_space<vmem>>, vector<16xf32>,
    }
    %scan3A_20 = arith.constant 32 : i32
    %mul3A_21 = arith.constant 1 : i32
    %mul3A_22 = arith.muli %arg0, %mul3A_21 : i32
    %add3A_23 = arith.constant 0 : i32
    %add3A_24 = arith.addi %mul3A_22, %add3A_23 : i32
    %mul3A_25 = arith.constant 64 : i32
    %mul3A_26 = arith.muli %add3A_24, %mul3A_25 : i32
    %mul3A_27 = arith.constant 512 : i32
    %mul3A_28 = arith.muli %arg1, %mul3A_27 : i32
    %add3A_29 = arith.constant 0 : i32
    %add3A_30 = arith.addi %mul3A_28, %add3A_29 : i32
    %dma_start3A = tpu.memref_slice %arg12[%add3A_30] : memref<8320xf32, #tpu.memory_space<vmem_shared>> -> memref<512xf32, #tpu.memory_space<vmem_shared>>
    %dma_start3A_31 = tpu.memref_slice %arg12[%add3A_30] : memref<8320xf32, #tpu.memory_space<vmem_shared>> -> memref<512xf32, #tpu.memory_space<vmem_shared>>
    tpu.enqueue_dma source(%arg10 : memref<512xf32, #tpu.memory_space<vmem>>) target(%dma_start3A_31 : memref<512xf32, #tpu.memory_space<vmem_shared>>) target_semaphore(%arg13 : memref<!tpu.dma_semaphore, #tpu.memory_space<semaphore_mem>>)
    %scan3A_32 = arith.constant 0 : i32
    %mul3A_33 = arith.constant 1 : i32
    %mul3A_34 = arith.muli %scan3A_32, %mul3A_33 : i32
    %add3A_35 = arith.constant 0 : i32
    %add3A_36 = arith.addi %add3A_35, %mul3A_34 : i32
    %scan3A_37 = arith.constant 0 : i32
    %scan3A_38 = arith.constant 8 : i32
    %scan3A_39 = arith.addi %scan3A_37, %scan3A_38 : i32
    %scan3A_40 = arith.constant 1 : i32
    scf.for %scan3A_75 = %scan3A_37 to %scan3A_39 step %scan3A_40  : i32 {
      %mul3A_76 = arith.constant 16 : i32
      %mul3A_77 = arith.muli %scan3A_75, %mul3A_76 : i32
      %add3A_78 = arith.constant 0 : i32
      %add3A_79 = arith.addi %add3A_78, %mul3A_77 : i32
      %mul3A_80 = arith.constant 128 : i32
      %mul3A_81 = arith.muli %add3A_36, %mul3A_80 : i32
      %add3A_82 = arith.addi %mul3A_81, %add3A_79 : i32
      %get3A = arith.index_cast %add3A_82 : i32 to index
      %get3A_83 = tpu.vector_load %arg6[%get3A] {strides = array<i32>} : memref<128xi32, #tpu.memory_space<vmem>>, vector<16xi32>,
      %get3A_84 = vector.shape_cast %get3A_83 : vector<16xi32> to vector<16xi32>
      %get3A_85 = arith.index_cast %add3A_82 : i32 to index
      %get3A_86 = tpu.vector_load %arg7[%get3A_85] {strides = array<i32>} : memref<128xi32, #tpu.memory_space<vmem>>, vector<16xi32>,
      %get3A_87 = vector.shape_cast %get3A_86 : vector<16xi32> to vector<16xi32>
      %sub3A = vector.broadcast %mul3A_26 : i32 to vector<16xi32>
      %sub3A_88 = arith.subi %get3A_87, %sub3A : vector<16xi32>
      %ge3A = arith.constant 0 : i32
      %ge3A_89 = vector.broadcast %ge3A : i32 to vector<16xi32>
      %ge3A_90 = arith.cmpi sge, %sub3A_88, %ge3A_89 : vector<16xi32>
      %lt3A = arith.constant 64 : i32
      %lt3A_91 = vector.broadcast %lt3A : i32 to vector<16xi32>
      %lt3A_92 = arith.cmpi slt, %sub3A_88, %lt3A_91 : vector<16xi32>
      %and3A = arith.andi %ge3A_90, %lt3A_92 : vector<16xi1>
      %add3A_93 = vector.broadcast %add3A_82 : i32 to vector<16xi32>
      %add3A_94 = arith.addi %get3A_84, %add3A_93 : vector<16xi32>
      %iota3A = tpu.iota {dimensions = array<i32: 0>} : vector<16xi32>
      %add3A_95 = arith.addi %add3A_94, %iota3A : vector<16xi32>
      %and3A_96 = arith.constant 1023 : i32
      %and3A_97 = vector.broadcast %and3A_96 : i32 to vector<16xi32>
      %and3A_98 = arith.andi %add3A_95, %and3A_97 : vector<16xi32>
      %mul3A_99 = arith.constant 128 : i32
      %mul3A_100 = vector.broadcast %mul3A_99 : i32 to vector<16xi32>
      %mul3A_101 = arith.muli %sub3A_88, %mul3A_100 : vector<16xi32>
      %add3A_102 = arith.addi %mul3A_101, %get3A_84 : vector<16xi32>
      %add3A_103 = arith.constant 8192 : i32
      %add3A_104 = vector.broadcast %add3A_103 : i32 to vector<16xi32>
      %add3A_105 = arith.addi %add3A_104, %and3A_98 : vector<16xi32>
      %select_n3A = arith.select %and3A, %add3A_102, %add3A_105 : vector<16xi1>, vector<16xi32>
      %swap3A = arith.index_cast %add3A_36 : i32 to index
      %swap3A_106 = arith.index_cast %add3A_79 : i32 to index
      %swap3A_107 = tpu.vector_load %arg8[%swap3A, %swap3A_106] {strides = array<i32>} : memref<1x128xi32, #tpu.memory_space<vmem>>, vector<1x16xi32>,
      %swap3A_108 = vector.shape_cast %swap3A_107 : vector<1x16xi32> to vector<16xi32>
      %swap3A_109 = vector.shape_cast %select_n3A : vector<16xi32> to vector<1x16xi32>
      tpu.vector_store %arg8[%swap3A, %swap3A_106], %swap3A_109 {strides = array<i32>} : memref<1x128xi32, #tpu.memory_space<vmem>>, vector<1x16xi32>,
    }
    %scan3A_41 = arith.constant 8 : i32
    %scan3A_42 = arith.constant 1 : i32
    %dma_wait3A = tpu.memref_slice %arg12[%add3A_30] : memref<8320xf32, #tpu.memory_space<vmem_shared>> -> memref<512xf32, #tpu.memory_space<vmem_shared>>
    %dma_wait3A_43 = tpu.memref_slice %arg12[%add3A_30] : memref<8320xf32, #tpu.memory_space<vmem_shared>> -> memref<512xf32, #tpu.memory_space<vmem_shared>>
    tpu.wait_dma2 semaphore(%arg13 : memref<!tpu.dma_semaphore, #tpu.memory_space<semaphore_mem>>) src(%arg10 : memref<512xf32, #tpu.memory_space<vmem>>) dst(%dma_wait3A_43 : memref<512xf32, #tpu.memory_space<vmem_shared>>)
    %barrier3A = arith.constant 0 : index
    tpu.barrier barrier_id(%barrier3A)
    %scan3A_44 = arith.constant 0 : i32
    %mul3A_45 = arith.constant 1 : i32
    %mul3A_46 = arith.muli %scan3A_44, %mul3A_45 : i32
    %add3A_47 = arith.constant 0 : i32
    %add3A_48 = arith.addi %add3A_47, %mul3A_46 : i32
    "tpu.region"() ({
      %run_scoped3A = tpu.sem_alloc : memref<!tpu.dma_semaphore, #tpu.memory_space<semaphore_mem>>
      %dma_start3A_75 = arith.constant 0 : i32
      %dma_start3A_76 = tpu.memref_slice %arg9[%add3A_48, %dma_start3A_75] : memref<1x128xf32, #tpu.memory_space<vmem>> -> memref<1x128xf32, #tpu.memory_space<vmem>>
      %dma_start3A_77 = tpu.memref_squeeze %dma_start3A_76 : memref<1x128xf32, #tpu.memory_space<vmem>> -> memref<128xf32, #tpu.memory_space<vmem>>
      %dma_start3A_78 = arith.constant 0 : i32
      %dma_start3A_79 = tpu.memref_slice %arg8[%add3A_48, %dma_start3A_78] : memref<1x128xi32, #tpu.memory_space<vmem>> -> memref<1x128xi32, #tpu.memory_space<vmem>>
      %dma_start3A_80 = tpu.memref_squeeze %dma_start3A_79 : memref<1x128xi32, #tpu.memory_space<vmem>> -> memref<128xi32, #tpu.memory_space<vmem>>
      %dma_start3A_81 = arith.constant 0 : i32
      %dma_start3A_82 = tpu.memref_slice %arg12[%dma_start3A_81] : memref<8320xf32, #tpu.memory_space<vmem_shared>> -> memref<8320xf32, #tpu.memory_space<vmem_shared>>
      tpu.enqueue_indirect_dma source(%dma_start3A_77 : memref<128xf32, #tpu.memory_space<vmem>>) target(%dma_start3A_82 : memref<8320xf32, #tpu.memory_space<vmem_shared>>) offsets(%dma_start3A_80 : memref<128xi32, #tpu.memory_space<vmem>>) semaphore(%run_scoped3A : memref<!tpu.dma_semaphore, #tpu.memory_space<semaphore_mem>>) {add = true}
      %dma_wait3A_83 = arith.constant 0 : i32
      %dma_wait3A_84 = tpu.memref_slice %arg9[%add3A_48, %dma_wait3A_83] : memref<1x128xf32, #tpu.memory_space<vmem>> -> memref<1x128xf32, #tpu.memory_space<vmem>>
      %dma_wait3A_85 = tpu.memref_squeeze %dma_wait3A_84 : memref<1x128xf32, #tpu.memory_space<vmem>> -> memref<128xf32, #tpu.memory_space<vmem>>
      %dma_wait3A_86 = arith.constant 0 : i32
      %dma_wait3A_87 = tpu.memref_slice %arg8[%add3A_48, %dma_wait3A_86] : memref<1x128xi32, #tpu.memory_space<vmem>> -> memref<1x128xi32, #tpu.memory_space<vmem>>
      %dma_wait3A_88 = tpu.memref_squeeze %dma_wait3A_87 : memref<1x128xi32, #tpu.memory_space<vmem>> -> memref<128xi32, #tpu.memory_space<vmem>>
      %dma_wait3A_89 = arith.constant 0 : i32
      %dma_wait3A_90 = tpu.memref_slice %arg12[%dma_wait3A_89] : memref<8320xf32, #tpu.memory_space<vmem_shared>> -> memref<8320xf32, #tpu.memory_space<vmem_shared>>
      tpu.wait_indirect_dma semaphore(%run_scoped3A : memref<!tpu.dma_semaphore, #tpu.memory_space<semaphore_mem>>) src(%dma_wait3A_85 : memref<128xf32, #tpu.memory_space<vmem>>) dst(%dma_wait3A_90 : memref<8320xf32, #tpu.memory_space<vmem_shared>>)
      tpu.yield
    }) : () -> ()
    %scan3A_49 = arith.constant 1 : i32
    %barrier3A_50 = arith.constant 0 : index
    tpu.barrier barrier_id(%barrier3A_50)
    %mul3A_51 = arith.constant 512 : i32
    %mul3A_52 = arith.muli %arg1, %mul3A_51 : i32
    %add3A_53 = arith.constant 0 : i32
    %add3A_54 = arith.addi %mul3A_52, %add3A_53 : i32
    "tpu.region"() ({
      %run_scoped3A = tpu.sem_alloc : memref<!tpu.dma_semaphore, #tpu.memory_space<semaphore_mem>>
      %dma_start3A_75 = arith.constant 0 : i32
      %dma_start3A_76 = tpu.memref_slice %arg11[%dma_start3A_75] : memref<1024xf32, #tpu.memory_space<vmem>> -> memref<512xf32, #tpu.memory_space<vmem>>
      %dma_start3A_77 = tpu.memref_slice %arg12[%add3A_54] : memref<8320xf32, #tpu.memory_space<vmem_shared>> -> memref<512xf32, #tpu.memory_space<vmem_shared>>
      %dma_start3A_78 = arith.constant 0 : i32
      %dma_start3A_79 = tpu.memref_slice %arg11[%dma_start3A_78] : memref<1024xf32, #tpu.memory_space<vmem>> -> memref<512xf32, #tpu.memory_space<vmem>>
      %dma_start3A_80 = tpu.memref_slice %arg12[%add3A_54] : memref<8320xf32, #tpu.memory_space<vmem_shared>> -> memref<512xf32, #tpu.memory_space<vmem_shared>>
      tpu.enqueue_dma source(%dma_start3A_80 : memref<512xf32, #tpu.memory_space<vmem_shared>>) target(%dma_start3A_79 : memref<512xf32, #tpu.memory_space<vmem>>) target_semaphore(%run_scoped3A : memref<!tpu.dma_semaphore, #tpu.memory_space<semaphore_mem>>)
      %dma_wait3A_81 = arith.constant 0 : i32
      %dma_wait3A_82 = tpu.memref_slice %arg11[%dma_wait3A_81] : memref<1024xf32, #tpu.memory_space<vmem>> -> memref<512xf32, #tpu.memory_space<vmem>>
      %dma_wait3A_83 = tpu.memref_slice %arg12[%add3A_54] : memref<8320xf32, #tpu.memory_space<vmem_shared>> -> memref<512xf32, #tpu.memory_space<vmem_shared>>
      %dma_wait3A_84 = arith.constant 0 : i32
      %dma_wait3A_85 = tpu.memref_slice %arg11[%dma_wait3A_84] : memref<1024xf32, #tpu.memory_space<vmem>> -> memref<512xf32, #tpu.memory_space<vmem>>
      %dma_wait3A_86 = tpu.memref_slice %arg12[%add3A_54] : memref<8320xf32, #tpu.memory_space<vmem_shared>> -> memref<512xf32, #tpu.memory_space<vmem_shared>>
      tpu.wait_dma2 semaphore(%run_scoped3A : memref<!tpu.dma_semaphore, #tpu.memory_space<semaphore_mem>>) src(%dma_wait3A_86 : memref<512xf32, #tpu.memory_space<vmem_shared>>) dst(%dma_wait3A_85 : memref<512xf32, #tpu.memory_space<vmem>>)
      tpu.yield
    }) : () -> ()
    %mul3A_55 = arith.constant 128 : i32
    %mul3A_56 = arith.muli %mul3A_26, %mul3A_55 : i32
    %mul3A_57 = arith.constant 512 : i32
    %mul3A_58 = arith.muli %arg1, %mul3A_57 : i32
    %add3A_59 = arith.addi %mul3A_56, %mul3A_58 : i32
    %add3A_60 = arith.constant 0 : i32
    %add3A_61 = arith.addi %add3A_59, %add3A_60 : i32
    %dma_start3A_62 = arith.constant 0 : i32
    %dma_start3A_63 = tpu.memref_slice %arg11[%dma_start3A_62] : memref<1024xf32, #tpu.memory_space<vmem>> -> memref<512xf32, #tpu.memory_space<vmem>>
    %dma_start3A_64 = tpu.memref_slice %arg5[%add3A_61] : memref<16384xf32, #tpu.memory_space<hbm>> -> memref<512xf32, #tpu.memory_space<hbm>>
    %dma_start3A_65 = tpu.memref_slice %arg5[%add3A_61] : memref<16384xf32, #tpu.memory_space<hbm>> -> memref<512xf32, #tpu.memory_space<hbm>>
    %dma_start3A_66 = arith.constant 0 : i32
    %dma_start3A_67 = tpu.memref_slice %arg11[%dma_start3A_66] : memref<1024xf32, #tpu.memory_space<vmem>> -> memref<512xf32, #tpu.memory_space<vmem>>
    tpu.enqueue_dma source(%dma_start3A_67 : memref<512xf32, #tpu.memory_space<vmem>>) target(%dma_start3A_65 : memref<512xf32, #tpu.memory_space<hbm>>) target_semaphore(%arg14 : memref<!tpu.dma_semaphore, #tpu.memory_space<semaphore_mem>>)
    %dma_wait3A_68 = arith.constant 0 : i32
    %dma_wait3A_69 = tpu.memref_slice %arg11[%dma_wait3A_68] : memref<1024xf32, #tpu.memory_space<vmem>> -> memref<512xf32, #tpu.memory_space<vmem>>
    %dma_wait3A_70 = tpu.memref_slice %arg5[%add3A_61] : memref<16384xf32, #tpu.memory_space<hbm>> -> memref<512xf32, #tpu.memory_space<hbm>>
    %dma_wait3A_71 = tpu.memref_slice %arg5[%add3A_61] : memref<16384xf32, #tpu.memory_space<hbm>> -> memref<512xf32, #tpu.memory_space<hbm>>
    %dma_wait3A_72 = arith.constant 0 : i32
    %dma_wait3A_73 = tpu.memref_slice %arg11[%dma_wait3A_72] : memref<1024xf32, #tpu.memory_space<vmem>> -> memref<512xf32, #tpu.memory_space<vmem>>
    tpu.wait_dma2 semaphore(%arg14 : memref<!tpu.dma_semaphore, #tpu.memory_space<semaphore_mem>>) src(%dma_wait3A_73 : memref<512xf32, #tpu.memory_space<vmem>>) dst(%dma_wait3A_71 : memref<512xf32, #tpu.memory_space<hbm>>)
    %barrier3A_74 = arith.constant 0 : index
    tpu.barrier barrier_id(%barrier3A_74)
    return
  }
}

module attributes {stable_mosaic.version = 14 : i64} {
  func.func @_xw1_body(%arg0: i32, %arg1: memref<272x128xf32, #tpu.memory_space<vmem>>, %arg2: memref<272x512xi32, #tpu.memory_space<vmem>>, %arg3: memref<512x512xf32, #tpu.memory_space<vmem>>, %arg4: memref<272x512xf32, #tpu.memory_space<vmem>>, %arg5: memref<272x1xf32, #tpu.memory_space<vmem>>) attributes {dimension_semantics = [#tpu.dimension_semantics<arbitrary>], iteration_bounds = array<i64: 0>, scalar_prefetch = 0 : i64, scratch_operands = 0 : i64, tpu.core_type = #tpu.core_type<tc>, window_params = [{transform_indices = @transform_0, window_bounds = array<i64: 272, 128>}, {transform_indices = @transform_1, window_bounds = array<i64: 272, 512>}, {pipeline_mode = #tpu.pipeline_mode<synchronous>, transform_indices = @transform_2, window_bounds = array<i64: 512, 512>}, {transform_indices = @transform_3, window_bounds = array<i64: 272, 512>}, {transform_indices = @transform_4, window_bounds = array<i64: 272, 1>}]} {
    %get3A = arith.constant 0 : index
    %get3A_0 = arith.constant 0 : index
    %get3A_1 = vector.load %arg1[%get3A, %get3A_0] : memref<272x128xf32, #tpu.memory_space<vmem>>, vector<272x128xf32>
    %reduce_sum3A = arith.constant dense<0.000000e+00> : vector<272xf32>
    %reduce_sum3A_2 = vector.multi_reduction <add>, %get3A_1, %reduce_sum3A [1] : vector<272x128xf32> to vector<272xf32>
    %broadcast_in_dim3A = vector.shape_cast %reduce_sum3A_2 : vector<272xf32> to vector<272x1xf32>
    %add3A = arith.constant 1.000000e+00 : f32
    %add3A_3 = vector.broadcast %add3A : f32 to vector<272x1xf32>
    %add3A_4 = arith.addf %broadcast_in_dim3A, %add3A_3 : vector<272x1xf32>
    %rsqrt3A = math.rsqrt %add3A_4 : vector<272x1xf32>
    %swap3A = arith.constant 0 : index
    %swap3A_5 = arith.constant 0 : index
    %swap3A_6 = vector.load %arg5[%swap3A, %swap3A_5] : memref<272x1xf32, #tpu.memory_space<vmem>>, vector<272x1xf32>
    tpu.vector_store %arg5[%swap3A, %swap3A_5], %rsqrt3A {strides = array<i32>} : memref<272x1xf32, #tpu.memory_space<vmem>>, vector<272x1xf32>,
    %get3A_7 = arith.constant 0 : index
    %get3A_8 = arith.constant 0 : index
    %get3A_9 = vector.load %arg2[%get3A_7, %get3A_8] : memref<272x512xi32, #tpu.memory_space<vmem>>, vector<272x512xi32>
    %get3A_10 = arith.constant 0 : index
    %get3A_11 = arith.constant 0 : index
    %get3A_12 = vector.load %arg3[%get3A_10, %get3A_11] : memref<512x512xf32, #tpu.memory_space<vmem>>, vector<512x512xf32>
    %dot_general3A = arith.constant dense<0.000000e+00> : vector<272x512xf32>
    %dot_general3A_13 = tpu.matmul %get3A_9, %get3A_12, %dot_general3A {dimension_numbers = #tpu.dot_dimension_numbers<[1], [0], [0], [1], [0, 0, 1, 1], [], []>, transpose_lhs_hint = false} : vector<272x512xi32>, vector<512x512xf32>, vector<272x512xf32> -> vector<272x512xf32>
    %mul3A = vector.broadcast %rsqrt3A : vector<272x1xf32> to vector<272x512xf32>
    %mul3A_14 = arith.mulf %dot_general3A_13, %mul3A : vector<272x512xf32>
    %swap3A_15 = arith.constant 0 : index
    %swap3A_16 = arith.constant 0 : index
    %swap3A_17 = vector.load %arg4[%swap3A_15, %swap3A_16] : memref<272x512xf32, #tpu.memory_space<vmem>>, vector<272x512xf32>
    tpu.vector_store %arg4[%swap3A_15, %swap3A_16], %mul3A_14 {strides = array<i32>} : memref<272x512xf32, #tpu.memory_space<vmem>>, vector<272x512xf32>,
    return
  }
  func.func @transform_0(%arg0: i32) -> (i32, i32) {
    %c0_i32 = arith.constant 0 : i32
    %c0_i32_0 = arith.constant 0 : i32
    return %arg0, %c0_i32 : i32, i32
  }
  func.func @transform_1(%arg0: i32) -> (i32, i32) {
    %c0_i32 = arith.constant 0 : i32
    %c0_i32_0 = arith.constant 0 : i32
    return %arg0, %c0_i32 : i32, i32
  }
  func.func @transform_2(%arg0: i32) -> (i32, i32) {
    %c0_i32 = arith.constant 0 : i32
    %c0_i32_0 = arith.constant 0 : i32
    %c0_i32_1 = arith.constant 0 : i32
    return %c0_i32, %c0_i32_0 : i32, i32
  }
  func.func @transform_3(%arg0: i32) -> (i32, i32) {
    %c0_i32 = arith.constant 0 : i32
    %c0_i32_0 = arith.constant 0 : i32
    return %arg0, %c0_i32 : i32, i32
  }
  func.func @transform_4(%arg0: i32) -> (i32, i32) {
    %c0_i32 = arith.constant 0 : i32
    %c0_i32_0 = arith.constant 0 : i32
    return %arg0, %c0_i32 : i32, i32
  }
}

module attributes {stable_mosaic.version = 14 : i64} {
  func.func @_ah_body(%arg0: i32, %arg1: memref<272x128xf32, #tpu.memory_space<vmem>>, %arg2: memref<128x512xf32, #tpu.memory_space<vmem>>, %arg3: memref<272x512xf32, #tpu.memory_space<vmem>>, %arg4: memref<272x1xf32, #tpu.memory_space<vmem>>, %arg5: memref<1x512xf32, #tpu.memory_space<vmem>>, %arg6: memref<272x512xf32, #tpu.memory_space<vmem>>, %arg7: memref<1xf32, #tpu.memory_space<smem>>) attributes {dimension_semantics = [#tpu.dimension_semantics<arbitrary>], iteration_bounds = array<i64: 0>, scalar_prefetch = 0 : i64, scratch_operands = 0 : i64, tpu.core_type = #tpu.core_type<tc>, window_params = [{transform_indices = @transform_0, window_bounds = array<i64: 272, 128>}, {pipeline_mode = #tpu.pipeline_mode<synchronous>, transform_indices = @transform_1, window_bounds = array<i64: 128, 512>}, {transform_indices = @transform_2, window_bounds = array<i64: 272, 512>}, {transform_indices = @transform_3, window_bounds = array<i64: 272, 1>}, {pipeline_mode = #tpu.pipeline_mode<synchronous>, transform_indices = @transform_4, window_bounds = array<i64: 1, 512>}, {transform_indices = @transform_5, window_bounds = array<i64: 272, 512>}, {transform_indices = @transform_6, window_bounds = array<i64: 1>}]} {
    %get3A = arith.constant 0 : index
    %get3A_0 = arith.constant 0 : index
    %get3A_1 = vector.load %arg1[%get3A, %get3A_0] : memref<272x128xf32, #tpu.memory_space<vmem>>, vector<272x128xf32>
    %get3A_2 = arith.constant 0 : index
    %get3A_3 = arith.constant 0 : index
    %get3A_4 = vector.load %arg2[%get3A_2, %get3A_3] : memref<128x512xf32, #tpu.memory_space<vmem>>, vector<128x512xf32>
    %dot_general3A = arith.constant dense<0.000000e+00> : vector<272x512xf32>
    %dot_general3A_5 = tpu.matmul %get3A_1, %get3A_4, %dot_general3A {dimension_numbers = #tpu.dot_dimension_numbers<[1], [0], [0], [1], [0, 0, 1, 1], [], []>, transpose_lhs_hint = false} : vector<272x128xf32>, vector<128x512xf32>, vector<272x512xf32> -> vector<272x512xf32>
    %get3A_6 = arith.constant 0 : index
    %get3A_7 = arith.constant 0 : index
    %get3A_8 = vector.load %arg3[%get3A_6, %get3A_7] : memref<272x512xf32, #tpu.memory_space<vmem>>, vector<272x512xf32>
    %add3A = arith.addf %dot_general3A_5, %get3A_8 : vector<272x512xf32>
    %get3A_9 = arith.constant 0 : index
    %get3A_10 = arith.constant 0 : index
    %get3A_11 = vector.load %arg4[%get3A_9, %get3A_10] : memref<272x1xf32, #tpu.memory_space<vmem>>, vector<272x1xf32>
    %mul3A = vector.broadcast %get3A_11 : vector<272x1xf32> to vector<272x512xf32>
    %mul3A_12 = arith.mulf %add3A, %mul3A : vector<272x512xf32>
    %get3A_13 = arith.constant 0 : index
    %get3A_14 = arith.constant 0 : index
    %get3A_15 = vector.load %arg5[%get3A_13, %get3A_14] : memref<1x512xf32, #tpu.memory_space<vmem>>, vector<1x512xf32>
    %add3A_16 = vector.broadcast %get3A_15 : vector<1x512xf32> to vector<272x512xf32>
    %add3A_17 = arith.addf %mul3A_12, %add3A_16 : vector<272x512xf32>
    %max3A = arith.constant 0.000000e+00 : f32
    %max3A_18 = vector.broadcast %max3A : f32 to vector<272x512xf32>
    %max3A_19 = arith.maximumf %add3A_17, %max3A_18 : vector<272x512xf32>
    %mul3A_20 = arith.constant 272 : i32
    %mul3A_21 = arith.muli %arg0, %mul3A_20 : i32
    %iota3A = tpu.iota {dimensions = array<i32: 0>} : vector<272x1xi32>
    %add3A_22 = vector.broadcast %mul3A_21 : i32 to vector<272x1xi32>
    %add3A_23 = arith.addi %add3A_22, %iota3A : vector<272x1xi32>
    %lt3A = arith.constant 2 : i32
    %lt3A_24 = vector.broadcast %lt3A : i32 to vector<272x1xi32>
    %lt3A_25 = arith.cmpi slt, %add3A_23, %lt3A_24 : vector<272x1xi32>
    %jit3A = arith.constant 0.000000e+00 : f32
    %broadcast_in_dim3A = vector.shape_cast %lt3A_25 : vector<272x1xi1> to vector<272x1xi1>
    %broadcast_in_dim3A_26 = vector.broadcast %broadcast_in_dim3A : vector<272x1xi1> to vector<272x512xi1>
    %broadcast_in_dim3A_27 = vector.broadcast %jit3A : f32 to vector<272x512xf32>
    %select_n3A = arith.select %broadcast_in_dim3A_26, %max3A_19, %broadcast_in_dim3A_27 : vector<272x512xi1>, vector<272x512xf32>
    %swap3A = arith.constant 0 : index
    %swap3A_28 = arith.constant 0 : index
    %swap3A_29 = vector.load %arg6[%swap3A, %swap3A_28] : memref<272x512xf32, #tpu.memory_space<vmem>>, vector<272x512xf32>
    tpu.vector_store %arg6[%swap3A, %swap3A_28], %select_n3A {strides = array<i32>} : memref<272x512xf32, #tpu.memory_space<vmem>>, vector<272x512xf32>,
    %eq3A = arith.constant 0 : i32
    %eq3A_30 = arith.cmpi eq, %arg0, %eq3A : i32
    %convert_element_type3A = arith.extui %eq3A_30 : i1 to i32
    %cond3A = arith.constant 0 : i32
    %cond3A_31 = arith.cmpi ne, %convert_element_type3A, %cond3A : i32
    scf.if %cond3A_31 {
      %swap3A_41 = arith.constant 0.000000e+00 : f32
      %swap3A_42 = arith.constant 0 : index
      %swap3A_43 = memref.load %arg7[%swap3A_42] : memref<1xf32, #tpu.memory_space<smem>>
      memref.store %swap3A_41, %arg7[%swap3A_42] : memref<1xf32, #tpu.memory_space<smem>>
    } else {
    }
    %get3A_32 = arith.constant 0 : index
    %get3A_33 = memref.load %arg7[%get3A_32] : memref<1xf32, #tpu.memory_space<smem>>
    %reduce_sum3A = vector.shape_cast %select_n3A : vector<272x512xf32> to vector<1x272x512xf32>
    %reduce_sum3A_34 = arith.constant dense<0.000000e+00> : vector<1xf32>
    %reduce_sum3A_35 = vector.multi_reduction <add>, %reduce_sum3A, %reduce_sum3A_34 [1, 2] : vector<1x272x512xf32> to vector<1xf32>
    %reduce_sum3A_36 = vector.shape_cast %reduce_sum3A_35 : vector<1xf32> to vector<1x1x1xf32>
    %reduce_sum3A_37 = vector.extract %reduce_sum3A_36[0, 0, 0] : f32 from vector<1x1x1xf32>
    %add3A_38 = arith.addf %get3A_33, %reduce_sum3A_37 : f32
    %swap3A_39 = arith.constant 0 : index
    %swap3A_40 = memref.load %arg7[%swap3A_39] : memref<1xf32, #tpu.memory_space<smem>>
    memref.store %add3A_38, %arg7[%swap3A_39] : memref<1xf32, #tpu.memory_space<smem>>
    return
  }
  func.func @transform_0(%arg0: i32) -> (i32, i32) {
    %c0_i32 = arith.constant 0 : i32
    %c0_i32_0 = arith.constant 0 : i32
    return %arg0, %c0_i32 : i32, i32
  }
  func.func @transform_1(%arg0: i32) -> (i32, i32) {
    %c0_i32 = arith.constant 0 : i32
    %c0_i32_0 = arith.constant 0 : i32
    %c0_i32_1 = arith.constant 0 : i32
    return %c0_i32, %c0_i32_0 : i32, i32
  }
  func.func @transform_2(%arg0: i32) -> (i32, i32) {
    %c0_i32 = arith.constant 0 : i32
    %c0_i32_0 = arith.constant 0 : i32
    return %arg0, %c0_i32 : i32, i32
  }
  func.func @transform_3(%arg0: i32) -> (i32, i32) {
    %c0_i32 = arith.constant 0 : i32
    %c0_i32_0 = arith.constant 0 : i32
    return %arg0, %c0_i32 : i32, i32
  }
  func.func @transform_4(%arg0: i32) -> (i32, i32) {
    %c0_i32 = arith.constant 0 : i32
    %c0_i32_0 = arith.constant 0 : i32
    %c0_i32_1 = arith.constant 0 : i32
    return %c0_i32, %c0_i32_0 : i32, i32
  }
  func.func @transform_5(%arg0: i32) -> (i32, i32) {
    %c0_i32 = arith.constant 0 : i32
    %c0_i32_0 = arith.constant 0 : i32
    return %arg0, %c0_i32 : i32, i32
  }
  func.func @transform_6(%arg0: i32) -> i32 {
    %c0_i32 = arith.constant 0 : i32
    %c0_i32_0 = arith.constant 0 : i32
    return %c0_i32 : i32
  }
}

module attributes {stable_mosaic.version = 14 : i64} {
  func.func @_xw_body(%arg0: i32, %arg1: memref<272x512xf32, #tpu.memory_space<vmem>>, %arg2: memref<512x512xf32, #tpu.memory_space<vmem>>, %arg3: memref<272x1xf32, #tpu.memory_space<vmem>>, %arg4: memref<272x512xf32, #tpu.memory_space<vmem>>) attributes {dimension_semantics = [#tpu.dimension_semantics<arbitrary>], iteration_bounds = array<i64: 0>, scalar_prefetch = 0 : i64, scratch_operands = 0 : i64, tpu.core_type = #tpu.core_type<tc>, window_params = [{transform_indices = @transform_0, window_bounds = array<i64: 272, 512>}, {pipeline_mode = #tpu.pipeline_mode<synchronous>, transform_indices = @transform_1, window_bounds = array<i64: 512, 512>}, {transform_indices = @transform_2, window_bounds = array<i64: 272, 1>}, {transform_indices = @transform_3, window_bounds = array<i64: 272, 512>}]} {
    %get3A = arith.constant 0 : index
    %get3A_0 = arith.constant 0 : index
    %get3A_1 = vector.load %arg1[%get3A, %get3A_0] : memref<272x512xf32, #tpu.memory_space<vmem>>, vector<272x512xf32>
    %get3A_2 = arith.constant 0 : index
    %get3A_3 = arith.constant 0 : index
    %get3A_4 = vector.load %arg2[%get3A_2, %get3A_3] : memref<512x512xf32, #tpu.memory_space<vmem>>, vector<512x512xf32>
    %dot_general3A = arith.constant dense<0.000000e+00> : vector<272x512xf32>
    %dot_general3A_5 = tpu.matmul %get3A_1, %get3A_4, %dot_general3A {dimension_numbers = #tpu.dot_dimension_numbers<[1], [0], [0], [1], [0, 0, 1, 1], [], []>, transpose_lhs_hint = false} : vector<272x512xf32>, vector<512x512xf32>, vector<272x512xf32> -> vector<272x512xf32>
    %get3A_6 = arith.constant 0 : index
    %get3A_7 = arith.constant 0 : index
    %get3A_8 = vector.load %arg3[%get3A_6, %get3A_7] : memref<272x1xf32, #tpu.memory_space<vmem>>, vector<272x1xf32>
    %mul3A = vector.broadcast %get3A_8 : vector<272x1xf32> to vector<272x512xf32>
    %mul3A_9 = arith.mulf %dot_general3A_5, %mul3A : vector<272x512xf32>
    %swap3A = arith.constant 0 : index
    %swap3A_10 = arith.constant 0 : index
    %swap3A_11 = vector.load %arg4[%swap3A, %swap3A_10] : memref<272x512xf32, #tpu.memory_space<vmem>>, vector<272x512xf32>
    tpu.vector_store %arg4[%swap3A, %swap3A_10], %mul3A_9 {strides = array<i32>} : memref<272x512xf32, #tpu.memory_space<vmem>>, vector<272x512xf32>,
    return
  }
  func.func @transform_0(%arg0: i32) -> (i32, i32) {
    %c0_i32 = arith.constant 0 : i32
    %c0_i32_0 = arith.constant 0 : i32
    return %arg0, %c0_i32 : i32, i32
  }
  func.func @transform_1(%arg0: i32) -> (i32, i32) {
    %c0_i32 = arith.constant 0 : i32
    %c0_i32_0 = arith.constant 0 : i32
    %c0_i32_1 = arith.constant 0 : i32
    return %c0_i32, %c0_i32_0 : i32, i32
  }
  func.func @transform_2(%arg0: i32) -> (i32, i32) {
    %c0_i32 = arith.constant 0 : i32
    %c0_i32_0 = arith.constant 0 : i32
    return %arg0, %c0_i32 : i32, i32
  }
  func.func @transform_3(%arg0: i32) -> (i32, i32) {
    %c0_i32 = arith.constant 0 : i32
    %c0_i32_0 = arith.constant 0 : i32
    return %arg0, %c0_i32 : i32, i32
  }
}

module attributes {stable_mosaic.version = 14 : i64} {
  func.func @_xw1_body(%arg0: i32, %arg1: memref<288x128xf32, #tpu.memory_space<vmem>>, %arg2: memref<288x512xi32, #tpu.memory_space<vmem>>, %arg3: memref<512x512xf32, #tpu.memory_space<vmem>>, %arg4: memref<288x512xf32, #tpu.memory_space<vmem>>, %arg5: memref<288x1xf32, #tpu.memory_space<vmem>>) attributes {dimension_semantics = [#tpu.dimension_semantics<arbitrary>], iteration_bounds = array<i64: 0>, scalar_prefetch = 0 : i64, scratch_operands = 0 : i64, tpu.core_type = #tpu.core_type<tc>, window_params = [{transform_indices = @transform_0, window_bounds = array<i64: 288, 128>}, {transform_indices = @transform_1, window_bounds = array<i64: 288, 512>}, {pipeline_mode = #tpu.pipeline_mode<synchronous>, transform_indices = @transform_2, window_bounds = array<i64: 512, 512>}, {transform_indices = @transform_3, window_bounds = array<i64: 288, 512>}, {transform_indices = @transform_4, window_bounds = array<i64: 288, 1>}]} {
    %get3A = arith.constant 0 : index
    %get3A_0 = arith.constant 0 : index
    %get3A_1 = vector.load %arg1[%get3A, %get3A_0] : memref<288x128xf32, #tpu.memory_space<vmem>>, vector<288x128xf32>
    %reduce_sum3A = arith.constant dense<0.000000e+00> : vector<288xf32>
    %reduce_sum3A_2 = vector.multi_reduction <add>, %get3A_1, %reduce_sum3A [1] : vector<288x128xf32> to vector<288xf32>
    %broadcast_in_dim3A = vector.shape_cast %reduce_sum3A_2 : vector<288xf32> to vector<288x1xf32>
    %add3A = arith.constant 1.000000e+00 : f32
    %add3A_3 = vector.broadcast %add3A : f32 to vector<288x1xf32>
    %add3A_4 = arith.addf %broadcast_in_dim3A, %add3A_3 : vector<288x1xf32>
    %rsqrt3A = math.rsqrt %add3A_4 : vector<288x1xf32>
    %swap3A = arith.constant 0 : index
    %swap3A_5 = arith.constant 0 : index
    %swap3A_6 = vector.load %arg5[%swap3A, %swap3A_5] : memref<288x1xf32, #tpu.memory_space<vmem>>, vector<288x1xf32>
    tpu.vector_store %arg5[%swap3A, %swap3A_5], %rsqrt3A {strides = array<i32>} : memref<288x1xf32, #tpu.memory_space<vmem>>, vector<288x1xf32>,
    %get3A_7 = arith.constant 0 : index
    %get3A_8 = arith.constant 0 : index
    %get3A_9 = vector.load %arg2[%get3A_7, %get3A_8] : memref<288x512xi32, #tpu.memory_space<vmem>>, vector<288x512xi32>
    %get3A_10 = arith.constant 0 : index
    %get3A_11 = arith.constant 0 : index
    %get3A_12 = vector.load %arg3[%get3A_10, %get3A_11] : memref<512x512xf32, #tpu.memory_space<vmem>>, vector<512x512xf32>
    %dot_general3A = arith.constant dense<0.000000e+00> : vector<288x512xf32>
    %dot_general3A_13 = tpu.matmul %get3A_9, %get3A_12, %dot_general3A {dimension_numbers = #tpu.dot_dimension_numbers<[1], [0], [0], [1], [0, 0, 1, 1], [], []>, transpose_lhs_hint = false} : vector<288x512xi32>, vector<512x512xf32>, vector<288x512xf32> -> vector<288x512xf32>
    %mul3A = vector.broadcast %rsqrt3A : vector<288x1xf32> to vector<288x512xf32>
    %mul3A_14 = arith.mulf %dot_general3A_13, %mul3A : vector<288x512xf32>
    %swap3A_15 = arith.constant 0 : index
    %swap3A_16 = arith.constant 0 : index
    %swap3A_17 = vector.load %arg4[%swap3A_15, %swap3A_16] : memref<288x512xf32, #tpu.memory_space<vmem>>, vector<288x512xf32>
    tpu.vector_store %arg4[%swap3A_15, %swap3A_16], %mul3A_14 {strides = array<i32>} : memref<288x512xf32, #tpu.memory_space<vmem>>, vector<288x512xf32>,
    return
  }
  func.func @transform_0(%arg0: i32) -> (i32, i32) {
    %c0_i32 = arith.constant 0 : i32
    %c0_i32_0 = arith.constant 0 : i32
    return %arg0, %c0_i32 : i32, i32
  }
  func.func @transform_1(%arg0: i32) -> (i32, i32) {
    %c0_i32 = arith.constant 0 : i32
    %c0_i32_0 = arith.constant 0 : i32
    return %arg0, %c0_i32 : i32, i32
  }
  func.func @transform_2(%arg0: i32) -> (i32, i32) {
    %c0_i32 = arith.constant 0 : i32
    %c0_i32_0 = arith.constant 0 : i32
    %c0_i32_1 = arith.constant 0 : i32
    return %c0_i32, %c0_i32_0 : i32, i32
  }
  func.func @transform_3(%arg0: i32) -> (i32, i32) {
    %c0_i32 = arith.constant 0 : i32
    %c0_i32_0 = arith.constant 0 : i32
    return %arg0, %c0_i32 : i32, i32
  }
  func.func @transform_4(%arg0: i32) -> (i32, i32) {
    %c0_i32 = arith.constant 0 : i32
    %c0_i32_0 = arith.constant 0 : i32
    return %arg0, %c0_i32 : i32, i32
  }
}

module attributes {stable_mosaic.version = 14 : i64} {
  func.func @_ah_body(%arg0: i32, %arg1: memref<288x128xf32, #tpu.memory_space<vmem>>, %arg2: memref<128x512xf32, #tpu.memory_space<vmem>>, %arg3: memref<288x512xf32, #tpu.memory_space<vmem>>, %arg4: memref<288x1xf32, #tpu.memory_space<vmem>>, %arg5: memref<1x512xf32, #tpu.memory_space<vmem>>, %arg6: memref<288x512xf32, #tpu.memory_space<vmem>>, %arg7: memref<1xf32, #tpu.memory_space<smem>>) attributes {dimension_semantics = [#tpu.dimension_semantics<arbitrary>], iteration_bounds = array<i64: 0>, scalar_prefetch = 0 : i64, scratch_operands = 0 : i64, tpu.core_type = #tpu.core_type<tc>, window_params = [{transform_indices = @transform_0, window_bounds = array<i64: 288, 128>}, {pipeline_mode = #tpu.pipeline_mode<synchronous>, transform_indices = @transform_1, window_bounds = array<i64: 128, 512>}, {transform_indices = @transform_2, window_bounds = array<i64: 288, 512>}, {transform_indices = @transform_3, window_bounds = array<i64: 288, 1>}, {pipeline_mode = #tpu.pipeline_mode<synchronous>, transform_indices = @transform_4, window_bounds = array<i64: 1, 512>}, {transform_indices = @transform_5, window_bounds = array<i64: 288, 512>}, {transform_indices = @transform_6, window_bounds = array<i64: 1>}]} {
    %get3A = arith.constant 0 : index
    %get3A_0 = arith.constant 0 : index
    %get3A_1 = vector.load %arg1[%get3A, %get3A_0] : memref<288x128xf32, #tpu.memory_space<vmem>>, vector<288x128xf32>
    %get3A_2 = arith.constant 0 : index
    %get3A_3 = arith.constant 0 : index
    %get3A_4 = vector.load %arg2[%get3A_2, %get3A_3] : memref<128x512xf32, #tpu.memory_space<vmem>>, vector<128x512xf32>
    %dot_general3A = arith.constant dense<0.000000e+00> : vector<288x512xf32>
    %dot_general3A_5 = tpu.matmul %get3A_1, %get3A_4, %dot_general3A {dimension_numbers = #tpu.dot_dimension_numbers<[1], [0], [0], [1], [0, 0, 1, 1], [], []>, transpose_lhs_hint = false} : vector<288x128xf32>, vector<128x512xf32>, vector<288x512xf32> -> vector<288x512xf32>
    %get3A_6 = arith.constant 0 : index
    %get3A_7 = arith.constant 0 : index
    %get3A_8 = vector.load %arg3[%get3A_6, %get3A_7] : memref<288x512xf32, #tpu.memory_space<vmem>>, vector<288x512xf32>
    %add3A = arith.addf %dot_general3A_5, %get3A_8 : vector<288x512xf32>
    %get3A_9 = arith.constant 0 : index
    %get3A_10 = arith.constant 0 : index
    %get3A_11 = vector.load %arg4[%get3A_9, %get3A_10] : memref<288x1xf32, #tpu.memory_space<vmem>>, vector<288x1xf32>
    %mul3A = vector.broadcast %get3A_11 : vector<288x1xf32> to vector<288x512xf32>
    %mul3A_12 = arith.mulf %add3A, %mul3A : vector<288x512xf32>
    %get3A_13 = arith.constant 0 : index
    %get3A_14 = arith.constant 0 : index
    %get3A_15 = vector.load %arg5[%get3A_13, %get3A_14] : memref<1x512xf32, #tpu.memory_space<vmem>>, vector<1x512xf32>
    %add3A_16 = vector.broadcast %get3A_15 : vector<1x512xf32> to vector<288x512xf32>
    %add3A_17 = arith.addf %mul3A_12, %add3A_16 : vector<288x512xf32>
    %max3A = arith.constant 0.000000e+00 : f32
    %max3A_18 = vector.broadcast %max3A : f32 to vector<288x512xf32>
    %max3A_19 = arith.maximumf %add3A_17, %max3A_18 : vector<288x512xf32>
    %mul3A_20 = arith.constant 288 : i32
    %mul3A_21 = arith.muli %arg0, %mul3A_20 : i32
    %iota3A = tpu.iota {dimensions = array<i32: 0>} : vector<288x1xi32>
    %add3A_22 = vector.broadcast %mul3A_21 : i32 to vector<288x1xi32>
    %add3A_23 = arith.addi %add3A_22, %iota3A : vector<288x1xi32>
    %lt3A = arith.constant 2 : i32
    %lt3A_24 = vector.broadcast %lt3A : i32 to vector<288x1xi32>
    %lt3A_25 = arith.cmpi slt, %add3A_23, %lt3A_24 : vector<288x1xi32>
    %jit3A = arith.constant 0.000000e+00 : f32
    %broadcast_in_dim3A = vector.shape_cast %lt3A_25 : vector<288x1xi1> to vector<288x1xi1>
    %broadcast_in_dim3A_26 = vector.broadcast %broadcast_in_dim3A : vector<288x1xi1> to vector<288x512xi1>
    %broadcast_in_dim3A_27 = vector.broadcast %jit3A : f32 to vector<288x512xf32>
    %select_n3A = arith.select %broadcast_in_dim3A_26, %max3A_19, %broadcast_in_dim3A_27 : vector<288x512xi1>, vector<288x512xf32>
    %swap3A = arith.constant 0 : index
    %swap3A_28 = arith.constant 0 : index
    %swap3A_29 = vector.load %arg6[%swap3A, %swap3A_28] : memref<288x512xf32, #tpu.memory_space<vmem>>, vector<288x512xf32>
    tpu.vector_store %arg6[%swap3A, %swap3A_28], %select_n3A {strides = array<i32>} : memref<288x512xf32, #tpu.memory_space<vmem>>, vector<288x512xf32>,
    %eq3A = arith.constant 0 : i32
    %eq3A_30 = arith.cmpi eq, %arg0, %eq3A : i32
    %convert_element_type3A = arith.extui %eq3A_30 : i1 to i32
    %cond3A = arith.constant 0 : i32
    %cond3A_31 = arith.cmpi ne, %convert_element_type3A, %cond3A : i32
    scf.if %cond3A_31 {
      %swap3A_41 = arith.constant 0.000000e+00 : f32
      %swap3A_42 = arith.constant 0 : index
      %swap3A_43 = memref.load %arg7[%swap3A_42] : memref<1xf32, #tpu.memory_space<smem>>
      memref.store %swap3A_41, %arg7[%swap3A_42] : memref<1xf32, #tpu.memory_space<smem>>
    } else {
    }
    %get3A_32 = arith.constant 0 : index
    %get3A_33 = memref.load %arg7[%get3A_32] : memref<1xf32, #tpu.memory_space<smem>>
    %reduce_sum3A = vector.shape_cast %select_n3A : vector<288x512xf32> to vector<1x288x512xf32>
    %reduce_sum3A_34 = arith.constant dense<0.000000e+00> : vector<1xf32>
    %reduce_sum3A_35 = vector.multi_reduction <add>, %reduce_sum3A, %reduce_sum3A_34 [1, 2] : vector<1x288x512xf32> to vector<1xf32>
    %reduce_sum3A_36 = vector.shape_cast %reduce_sum3A_35 : vector<1xf32> to vector<1x1x1xf32>
    %reduce_sum3A_37 = vector.extract %reduce_sum3A_36[0, 0, 0] : f32 from vector<1x1x1xf32>
    %add3A_38 = arith.addf %get3A_33, %reduce_sum3A_37 : f32
    %swap3A_39 = arith.constant 0 : index
    %swap3A_40 = memref.load %arg7[%swap3A_39] : memref<1xf32, #tpu.memory_space<smem>>
    memref.store %add3A_38, %arg7[%swap3A_39] : memref<1xf32, #tpu.memory_space<smem>>
    return
  }
  func.func @transform_0(%arg0: i32) -> (i32, i32) {
    %c0_i32 = arith.constant 0 : i32
    %c0_i32_0 = arith.constant 0 : i32
    return %arg0, %c0_i32 : i32, i32
  }
  func.func @transform_1(%arg0: i32) -> (i32, i32) {
    %c0_i32 = arith.constant 0 : i32
    %c0_i32_0 = arith.constant 0 : i32
    %c0_i32_1 = arith.constant 0 : i32
    return %c0_i32, %c0_i32_0 : i32, i32
  }
  func.func @transform_2(%arg0: i32) -> (i32, i32) {
    %c0_i32 = arith.constant 0 : i32
    %c0_i32_0 = arith.constant 0 : i32
    return %arg0, %c0_i32 : i32, i32
  }
  func.func @transform_3(%arg0: i32) -> (i32, i32) {
    %c0_i32 = arith.constant 0 : i32
    %c0_i32_0 = arith.constant 0 : i32
    return %arg0, %c0_i32 : i32, i32
  }
  func.func @transform_4(%arg0: i32) -> (i32, i32) {
    %c0_i32 = arith.constant 0 : i32
    %c0_i32_0 = arith.constant 0 : i32
    %c0_i32_1 = arith.constant 0 : i32
    return %c0_i32, %c0_i32_0 : i32, i32
  }
  func.func @transform_5(%arg0: i32) -> (i32, i32) {
    %c0_i32 = arith.constant 0 : i32
    %c0_i32_0 = arith.constant 0 : i32
    return %arg0, %c0_i32 : i32, i32
  }
  func.func @transform_6(%arg0: i32) -> i32 {
    %c0_i32 = arith.constant 0 : i32
    %c0_i32_0 = arith.constant 0 : i32
    return %c0_i32 : i32
  }
}

module attributes {stable_mosaic.version = 14 : i64} {
  func.func @_xw_body(%arg0: i32, %arg1: memref<288x512xf32, #tpu.memory_space<vmem>>, %arg2: memref<512x512xf32, #tpu.memory_space<vmem>>, %arg3: memref<288x1xf32, #tpu.memory_space<vmem>>, %arg4: memref<288x512xf32, #tpu.memory_space<vmem>>) attributes {dimension_semantics = [#tpu.dimension_semantics<arbitrary>], iteration_bounds = array<i64: 0>, scalar_prefetch = 0 : i64, scratch_operands = 0 : i64, tpu.core_type = #tpu.core_type<tc>, window_params = [{transform_indices = @transform_0, window_bounds = array<i64: 288, 512>}, {pipeline_mode = #tpu.pipeline_mode<synchronous>, transform_indices = @transform_1, window_bounds = array<i64: 512, 512>}, {transform_indices = @transform_2, window_bounds = array<i64: 288, 1>}, {transform_indices = @transform_3, window_bounds = array<i64: 288, 512>}]} {
    %get3A = arith.constant 0 : index
    %get3A_0 = arith.constant 0 : index
    %get3A_1 = vector.load %arg1[%get3A, %get3A_0] : memref<288x512xf32, #tpu.memory_space<vmem>>, vector<288x512xf32>
    %get3A_2 = arith.constant 0 : index
    %get3A_3 = arith.constant 0 : index
    %get3A_4 = vector.load %arg2[%get3A_2, %get3A_3] : memref<512x512xf32, #tpu.memory_space<vmem>>, vector<512x512xf32>
    %dot_general3A = arith.constant dense<0.000000e+00> : vector<288x512xf32>
    %dot_general3A_5 = tpu.matmul %get3A_1, %get3A_4, %dot_general3A {dimension_numbers = #tpu.dot_dimension_numbers<[1], [0], [0], [1], [0, 0, 1, 1], [], []>, transpose_lhs_hint = false} : vector<288x512xf32>, vector<512x512xf32>, vector<288x512xf32> -> vector<288x512xf32>
    %get3A_6 = arith.constant 0 : index
    %get3A_7 = arith.constant 0 : index
    %get3A_8 = vector.load %arg3[%get3A_6, %get3A_7] : memref<288x1xf32, #tpu.memory_space<vmem>>, vector<288x1xf32>
    %mul3A = vector.broadcast %get3A_8 : vector<288x1xf32> to vector<288x512xf32>
    %mul3A_9 = arith.mulf %dot_general3A_5, %mul3A : vector<288x512xf32>
    %swap3A = arith.constant 0 : index
    %swap3A_10 = arith.constant 0 : index
    %swap3A_11 = vector.load %arg4[%swap3A, %swap3A_10] : memref<288x512xf32, #tpu.memory_space<vmem>>, vector<288x512xf32>
    tpu.vector_store %arg4[%swap3A, %swap3A_10], %mul3A_9 {strides = array<i32>} : memref<288x512xf32, #tpu.memory_space<vmem>>, vector<288x512xf32>,
    return
  }
  func.func @transform_0(%arg0: i32) -> (i32, i32) {
    %c0_i32 = arith.constant 0 : i32
    %c0_i32_0 = arith.constant 0 : i32
    return %arg0, %c0_i32 : i32, i32
  }
  func.func @transform_1(%arg0: i32) -> (i32, i32) {
    %c0_i32 = arith.constant 0 : i32
    %c0_i32_0 = arith.constant 0 : i32
    %c0_i32_1 = arith.constant 0 : i32
    return %c0_i32, %c0_i32_0 : i32, i32
  }
  func.func @transform_2(%arg0: i32) -> (i32, i32) {
    %c0_i32 = arith.constant 0 : i32
    %c0_i32_0 = arith.constant 0 : i32
    return %arg0, %c0_i32 : i32, i32
  }
  func.func @transform_3(%arg0: i32) -> (i32, i32) {
    %c0_i32 = arith.constant 0 : i32
    %c0_i32_0 = arith.constant 0 : i32
    return %arg0, %c0_i32 : i32, i32
  }
}

module attributes {stable_mosaic.version = 14 : i64} {
  func.func @_fuse_body(%arg0: i32, %arg1: memref<272x512xf32, #tpu.memory_space<vmem>>, %arg2: memref<272x512xf32, #tpu.memory_space<vmem>>, %arg3: memref<512x256xf32, #tpu.memory_space<vmem>>, %arg4: memref<512x256xf32, #tpu.memory_space<vmem>>, %arg5: memref<1x256xf32, #tpu.memory_space<vmem>>, %arg6: memref<12xf32, #tpu.memory_space<smem>>, %arg7: memref<1xf32, #tpu.memory_space<smem>>, %arg8: memref<1xf32, #tpu.memory_space<smem>>, %arg9: memref<272x256xf32, #tpu.memory_space<vmem>>) attributes {dimension_semantics = [#tpu.dimension_semantics<arbitrary>], iteration_bounds = array<i64: 0>, scalar_prefetch = 0 : i64, scratch_operands = 0 : i64, tpu.core_type = #tpu.core_type<tc>, window_params = [{transform_indices = @transform_0, window_bounds = array<i64: 272, 512>}, {transform_indices = @transform_1, window_bounds = array<i64: 272, 512>}, {pipeline_mode = #tpu.pipeline_mode<synchronous>, transform_indices = @transform_2, window_bounds = array<i64: 512, 256>}, {pipeline_mode = #tpu.pipeline_mode<synchronous>, transform_indices = @transform_3, window_bounds = array<i64: 512, 256>}, {pipeline_mode = #tpu.pipeline_mode<synchronous>, transform_indices = @transform_4, window_bounds = array<i64: 1, 256>}, {transform_indices = @transform_5, window_bounds = array<i64: 12>}, {transform_indices = @transform_6, window_bounds = array<i64: 1>}, {transform_indices = @transform_7, window_bounds = array<i64: 1>}, {transform_indices = @transform_8, window_bounds = array<i64: 272, 256>}]} {
    %get3A = arith.constant 0 : index
    %get3A_0 = memref.load %arg7[%get3A] : memref<1xf32, #tpu.memory_space<smem>>
    %mul3A = arith.constant 9.765625E-4 : f32
    %mul3A_1 = arith.mulf %get3A_0, %mul3A : f32
    %get3A_2 = arith.constant 0 : index
    %get3A_3 = memref.load %arg8[%get3A_2] : memref<1xf32, #tpu.memory_space<smem>>
    %mul3A_4 = arith.constant 9.765625E-4 : f32
    %mul3A_5 = arith.mulf %get3A_3, %mul3A_4 : f32
    %get3A_6 = arith.constant 0 : index
    %get3A_7 = memref.load %arg6[%get3A_6] : memref<12xf32, #tpu.memory_space<smem>>
    %mul3A_8 = arith.mulf %mul3A_1, %get3A_7 : f32
    %get3A_9 = arith.constant 1 : index
    %get3A_10 = memref.load %arg6[%get3A_9] : memref<12xf32, #tpu.memory_space<smem>>
    %mul3A_11 = arith.mulf %mul3A_5, %get3A_10 : f32
    %add3A = arith.addf %mul3A_8, %mul3A_11 : f32
    %get3A_12 = arith.constant 4 : index
    %get3A_13 = memref.load %arg6[%get3A_12] : memref<12xf32, #tpu.memory_space<smem>>
    %add3A_14 = arith.addf %add3A, %get3A_13 : f32
    %max3A = arith.constant 0.000000e+00 : f32
    %max3A_15 = arith.maximumf %add3A_14, %max3A : f32
    %get3A_16 = arith.constant 2 : index
    %get3A_17 = memref.load %arg6[%get3A_16] : memref<12xf32, #tpu.memory_space<smem>>
    %mul3A_18 = arith.mulf %mul3A_1, %get3A_17 : f32
    %get3A_19 = arith.constant 3 : index
    %get3A_20 = memref.load %arg6[%get3A_19] : memref<12xf32, #tpu.memory_space<smem>>
    %mul3A_21 = arith.mulf %mul3A_5, %get3A_20 : f32
    %add3A_22 = arith.addf %mul3A_18, %mul3A_21 : f32
    %get3A_23 = arith.constant 5 : index
    %get3A_24 = memref.load %arg6[%get3A_23] : memref<12xf32, #tpu.memory_space<smem>>
    %add3A_25 = arith.addf %add3A_22, %get3A_24 : f32
    %max3A_26 = arith.constant 0.000000e+00 : f32
    %max3A_27 = arith.maximumf %add3A_25, %max3A_26 : f32
    %get3A_28 = arith.constant 6 : index
    %get3A_29 = memref.load %arg6[%get3A_28] : memref<12xf32, #tpu.memory_space<smem>>
    %mul3A_30 = arith.mulf %max3A_15, %get3A_29 : f32
    %get3A_31 = arith.constant 7 : index
    %get3A_32 = memref.load %arg6[%get3A_31] : memref<12xf32, #tpu.memory_space<smem>>
    %mul3A_33 = arith.mulf %max3A_27, %get3A_32 : f32
    %add3A_34 = arith.addf %mul3A_30, %mul3A_33 : f32
    %get3A_35 = arith.constant 10 : index
    %get3A_36 = memref.load %arg6[%get3A_35] : memref<12xf32, #tpu.memory_space<smem>>
    %add3A_37 = arith.addf %add3A_34, %get3A_36 : f32
    %logistic3A = arith.negf %add3A_37 : f32
    %logistic3A_38 = math.exp %logistic3A : f32
    %logistic3A_39 = arith.constant 1.000000e+00 : f32
    %logistic3A_40 = arith.addf %logistic3A_39, %logistic3A_38 : f32
    %logistic3A_41 = arith.divf %logistic3A_39, %logistic3A_40 : f32
    %get3A_42 = arith.constant 8 : index
    %get3A_43 = memref.load %arg6[%get3A_42] : memref<12xf32, #tpu.memory_space<smem>>
    %mul3A_44 = arith.mulf %max3A_15, %get3A_43 : f32
    %get3A_45 = arith.constant 9 : index
    %get3A_46 = memref.load %arg6[%get3A_45] : memref<12xf32, #tpu.memory_space<smem>>
    %mul3A_47 = arith.mulf %max3A_27, %get3A_46 : f32
    %add3A_48 = arith.addf %mul3A_44, %mul3A_47 : f32
    %get3A_49 = arith.constant 11 : index
    %get3A_50 = memref.load %arg6[%get3A_49] : memref<12xf32, #tpu.memory_space<smem>>
    %add3A_51 = arith.addf %add3A_48, %get3A_50 : f32
    %logistic3A_52 = arith.negf %add3A_51 : f32
    %logistic3A_53 = math.exp %logistic3A_52 : f32
    %logistic3A_54 = arith.constant 1.000000e+00 : f32
    %logistic3A_55 = arith.addf %logistic3A_54, %logistic3A_53 : f32
    %logistic3A_56 = arith.divf %logistic3A_54, %logistic3A_55 : f32
    %get3A_57 = arith.constant 0 : index
    %get3A_58 = arith.constant 0 : index
    %get3A_59 = vector.load %arg1[%get3A_57, %get3A_58] : memref<272x512xf32, #tpu.memory_space<vmem>>, vector<272x512xf32>
    %get3A_60 = arith.constant 0 : index
    %get3A_61 = arith.constant 0 : index
    %get3A_62 = vector.load %arg3[%get3A_60, %get3A_61] : memref<512x256xf32, #tpu.memory_space<vmem>>, vector<512x256xf32>
    %dot_general3A = arith.constant dense<0.000000e+00> : vector<272x256xf32>
    %dot_general3A_63 = tpu.matmul %get3A_59, %get3A_62, %dot_general3A {dimension_numbers = #tpu.dot_dimension_numbers<[1], [0], [0], [1], [0, 0, 1, 1], [], []>, transpose_lhs_hint = false} : vector<272x512xf32>, vector<512x256xf32>, vector<272x256xf32> -> vector<272x256xf32>
    %mul3A_64 = vector.broadcast %logistic3A_41 : f32 to vector<272x256xf32>
    %mul3A_65 = arith.mulf %mul3A_64, %dot_general3A_63 : vector<272x256xf32>
    %get3A_66 = arith.constant 0 : index
    %get3A_67 = arith.constant 0 : index
    %get3A_68 = vector.load %arg2[%get3A_66, %get3A_67] : memref<272x512xf32, #tpu.memory_space<vmem>>, vector<272x512xf32>
    %get3A_69 = arith.constant 0 : index
    %get3A_70 = arith.constant 0 : index
    %get3A_71 = vector.load %arg4[%get3A_69, %get3A_70] : memref<512x256xf32, #tpu.memory_space<vmem>>, vector<512x256xf32>
    %dot_general3A_72 = arith.constant dense<0.000000e+00> : vector<272x256xf32>
    %dot_general3A_73 = tpu.matmul %get3A_68, %get3A_71, %dot_general3A_72 {dimension_numbers = #tpu.dot_dimension_numbers<[1], [0], [0], [1], [0, 0, 1, 1], [], []>, transpose_lhs_hint = false} : vector<272x512xf32>, vector<512x256xf32>, vector<272x256xf32> -> vector<272x256xf32>
    %mul3A_74 = vector.broadcast %logistic3A_56 : f32 to vector<272x256xf32>
    %mul3A_75 = arith.mulf %mul3A_74, %dot_general3A_73 : vector<272x256xf32>
    %add3A_76 = arith.addf %mul3A_65, %mul3A_75 : vector<272x256xf32>
    %get3A_77 = arith.constant 0 : index
    %get3A_78 = arith.constant 0 : index
    %get3A_79 = vector.load %arg5[%get3A_77, %get3A_78] : memref<1x256xf32, #tpu.memory_space<vmem>>, vector<1x256xf32>
    %add3A_80 = vector.broadcast %get3A_79 : vector<1x256xf32> to vector<272x256xf32>
    %add3A_81 = arith.addf %add3A_76, %add3A_80 : vector<272x256xf32>
    %swap3A = arith.constant 0 : index
    %swap3A_82 = arith.constant 0 : index
    %swap3A_83 = vector.load %arg9[%swap3A, %swap3A_82] : memref<272x256xf32, #tpu.memory_space<vmem>>, vector<272x256xf32>
    tpu.vector_store %arg9[%swap3A, %swap3A_82], %add3A_81 {strides = array<i32>} : memref<272x256xf32, #tpu.memory_space<vmem>>, vector<272x256xf32>,
    return
  }
  func.func @transform_0(%arg0: i32) -> (i32, i32) {
    %c0_i32 = arith.constant 0 : i32
    %c0_i32_0 = arith.constant 0 : i32
    return %arg0, %c0_i32 : i32, i32
  }
  func.func @transform_1(%arg0: i32) -> (i32, i32) {
    %c0_i32 = arith.constant 0 : i32
    %c0_i32_0 = arith.constant 0 : i32
    return %arg0, %c0_i32 : i32, i32
  }
  func.func @transform_2(%arg0: i32) -> (i32, i32) {
    %c0_i32 = arith.constant 0 : i32
    %c0_i32_0 = arith.constant 0 : i32
    %c0_i32_1 = arith.constant 0 : i32
    return %c0_i32, %c0_i32_0 : i32, i32
  }
  func.func @transform_3(%arg0: i32) -> (i32, i32) {
    %c0_i32 = arith.constant 0 : i32
    %c0_i32_0 = arith.constant 0 : i32
    %c0_i32_1 = arith.constant 0 : i32
    return %c0_i32, %c0_i32_0 : i32, i32
  }
  func.func @transform_4(%arg0: i32) -> (i32, i32) {
    %c0_i32 = arith.constant 0 : i32
    %c0_i32_0 = arith.constant 0 : i32
    %c0_i32_1 = arith.constant 0 : i32
    return %c0_i32, %c0_i32_0 : i32, i32
  }
  func.func @transform_5(%arg0: i32) -> i32 {
    %c0_i32 = arith.constant 0 : i32
    %c0_i32_0 = arith.constant 0 : i32
    return %c0_i32 : i32
  }
  func.func @transform_6(%arg0: i32) -> i32 {
    %c0_i32 = arith.constant 0 : i32
    %c0_i32_0 = arith.constant 0 : i32
    return %c0_i32 : i32
  }
  func.func @transform_7(%arg0: i32) -> i32 {
    %c0_i32 = arith.constant 0 : i32
    %c0_i32_0 = arith.constant 0 : i32
    return %c0_i32 : i32
  }
  func.func @transform_8(%arg0: i32) -> (i32, i32) {
    %c0_i32 = arith.constant 0 : i32
    %c0_i32_0 = arith.constant 0 : i32
    return %arg0, %c0_i32 : i32, i32
  }
}

module attributes {stable_mosaic.version = 14 : i64} {
  func.func @_fuse_body(%arg0: i32, %arg1: memref<288x512xf32, #tpu.memory_space<vmem>>, %arg2: memref<288x512xf32, #tpu.memory_space<vmem>>, %arg3: memref<512x256xf32, #tpu.memory_space<vmem>>, %arg4: memref<512x256xf32, #tpu.memory_space<vmem>>, %arg5: memref<1x256xf32, #tpu.memory_space<vmem>>, %arg6: memref<12xf32, #tpu.memory_space<smem>>, %arg7: memref<1xf32, #tpu.memory_space<smem>>, %arg8: memref<1xf32, #tpu.memory_space<smem>>, %arg9: memref<288x256xf32, #tpu.memory_space<vmem>>) attributes {dimension_semantics = [#tpu.dimension_semantics<arbitrary>], iteration_bounds = array<i64: 0>, scalar_prefetch = 0 : i64, scratch_operands = 0 : i64, tpu.core_type = #tpu.core_type<tc>, window_params = [{transform_indices = @transform_0, window_bounds = array<i64: 288, 512>}, {transform_indices = @transform_1, window_bounds = array<i64: 288, 512>}, {pipeline_mode = #tpu.pipeline_mode<synchronous>, transform_indices = @transform_2, window_bounds = array<i64: 512, 256>}, {pipeline_mode = #tpu.pipeline_mode<synchronous>, transform_indices = @transform_3, window_bounds = array<i64: 512, 256>}, {pipeline_mode = #tpu.pipeline_mode<synchronous>, transform_indices = @transform_4, window_bounds = array<i64: 1, 256>}, {transform_indices = @transform_5, window_bounds = array<i64: 12>}, {transform_indices = @transform_6, window_bounds = array<i64: 1>}, {transform_indices = @transform_7, window_bounds = array<i64: 1>}, {transform_indices = @transform_8, window_bounds = array<i64: 288, 256>}]} {
    %get3A = arith.constant 0 : index
    %get3A_0 = memref.load %arg7[%get3A] : memref<1xf32, #tpu.memory_space<smem>>
    %mul3A = arith.constant 9.765625E-4 : f32
    %mul3A_1 = arith.mulf %get3A_0, %mul3A : f32
    %get3A_2 = arith.constant 0 : index
    %get3A_3 = memref.load %arg8[%get3A_2] : memref<1xf32, #tpu.memory_space<smem>>
    %mul3A_4 = arith.constant 9.765625E-4 : f32
    %mul3A_5 = arith.mulf %get3A_3, %mul3A_4 : f32
    %get3A_6 = arith.constant 0 : index
    %get3A_7 = memref.load %arg6[%get3A_6] : memref<12xf32, #tpu.memory_space<smem>>
    %mul3A_8 = arith.mulf %mul3A_1, %get3A_7 : f32
    %get3A_9 = arith.constant 1 : index
    %get3A_10 = memref.load %arg6[%get3A_9] : memref<12xf32, #tpu.memory_space<smem>>
    %mul3A_11 = arith.mulf %mul3A_5, %get3A_10 : f32
    %add3A = arith.addf %mul3A_8, %mul3A_11 : f32
    %get3A_12 = arith.constant 4 : index
    %get3A_13 = memref.load %arg6[%get3A_12] : memref<12xf32, #tpu.memory_space<smem>>
    %add3A_14 = arith.addf %add3A, %get3A_13 : f32
    %max3A = arith.constant 0.000000e+00 : f32
    %max3A_15 = arith.maximumf %add3A_14, %max3A : f32
    %get3A_16 = arith.constant 2 : index
    %get3A_17 = memref.load %arg6[%get3A_16] : memref<12xf32, #tpu.memory_space<smem>>
    %mul3A_18 = arith.mulf %mul3A_1, %get3A_17 : f32
    %get3A_19 = arith.constant 3 : index
    %get3A_20 = memref.load %arg6[%get3A_19] : memref<12xf32, #tpu.memory_space<smem>>
    %mul3A_21 = arith.mulf %mul3A_5, %get3A_20 : f32
    %add3A_22 = arith.addf %mul3A_18, %mul3A_21 : f32
    %get3A_23 = arith.constant 5 : index
    %get3A_24 = memref.load %arg6[%get3A_23] : memref<12xf32, #tpu.memory_space<smem>>
    %add3A_25 = arith.addf %add3A_22, %get3A_24 : f32
    %max3A_26 = arith.constant 0.000000e+00 : f32
    %max3A_27 = arith.maximumf %add3A_25, %max3A_26 : f32
    %get3A_28 = arith.constant 6 : index
    %get3A_29 = memref.load %arg6[%get3A_28] : memref<12xf32, #tpu.memory_space<smem>>
    %mul3A_30 = arith.mulf %max3A_15, %get3A_29 : f32
    %get3A_31 = arith.constant 7 : index
    %get3A_32 = memref.load %arg6[%get3A_31] : memref<12xf32, #tpu.memory_space<smem>>
    %mul3A_33 = arith.mulf %max3A_27, %get3A_32 : f32
    %add3A_34 = arith.addf %mul3A_30, %mul3A_33 : f32
    %get3A_35 = arith.constant 10 : index
    %get3A_36 = memref.load %arg6[%get3A_35] : memref<12xf32, #tpu.memory_space<smem>>
    %add3A_37 = arith.addf %add3A_34, %get3A_36 : f32
    %logistic3A = arith.negf %add3A_37 : f32
    %logistic3A_38 = math.exp %logistic3A : f32
    %logistic3A_39 = arith.constant 1.000000e+00 : f32
    %logistic3A_40 = arith.addf %logistic3A_39, %logistic3A_38 : f32
    %logistic3A_41 = arith.divf %logistic3A_39, %logistic3A_40 : f32
    %get3A_42 = arith.constant 8 : index
    %get3A_43 = memref.load %arg6[%get3A_42] : memref<12xf32, #tpu.memory_space<smem>>
    %mul3A_44 = arith.mulf %max3A_15, %get3A_43 : f32
    %get3A_45 = arith.constant 9 : index
    %get3A_46 = memref.load %arg6[%get3A_45] : memref<12xf32, #tpu.memory_space<smem>>
    %mul3A_47 = arith.mulf %max3A_27, %get3A_46 : f32
    %add3A_48 = arith.addf %mul3A_44, %mul3A_47 : f32
    %get3A_49 = arith.constant 11 : index
    %get3A_50 = memref.load %arg6[%get3A_49] : memref<12xf32, #tpu.memory_space<smem>>
    %add3A_51 = arith.addf %add3A_48, %get3A_50 : f32
    %logistic3A_52 = arith.negf %add3A_51 : f32
    %logistic3A_53 = math.exp %logistic3A_52 : f32
    %logistic3A_54 = arith.constant 1.000000e+00 : f32
    %logistic3A_55 = arith.addf %logistic3A_54, %logistic3A_53 : f32
    %logistic3A_56 = arith.divf %logistic3A_54, %logistic3A_55 : f32
    %get3A_57 = arith.constant 0 : index
    %get3A_58 = arith.constant 0 : index
    %get3A_59 = vector.load %arg1[%get3A_57, %get3A_58] : memref<288x512xf32, #tpu.memory_space<vmem>>, vector<288x512xf32>
    %get3A_60 = arith.constant 0 : index
    %get3A_61 = arith.constant 0 : index
    %get3A_62 = vector.load %arg3[%get3A_60, %get3A_61] : memref<512x256xf32, #tpu.memory_space<vmem>>, vector<512x256xf32>
    %dot_general3A = arith.constant dense<0.000000e+00> : vector<288x256xf32>
    %dot_general3A_63 = tpu.matmul %get3A_59, %get3A_62, %dot_general3A {dimension_numbers = #tpu.dot_dimension_numbers<[1], [0], [0], [1], [0, 0, 1, 1], [], []>, transpose_lhs_hint = false} : vector<288x512xf32>, vector<512x256xf32>, vector<288x256xf32> -> vector<288x256xf32>
    %mul3A_64 = vector.broadcast %logistic3A_41 : f32 to vector<288x256xf32>
    %mul3A_65 = arith.mulf %mul3A_64, %dot_general3A_63 : vector<288x256xf32>
    %get3A_66 = arith.constant 0 : index
    %get3A_67 = arith.constant 0 : index
    %get3A_68 = vector.load %arg2[%get3A_66, %get3A_67] : memref<288x512xf32, #tpu.memory_space<vmem>>, vector<288x512xf32>
    %get3A_69 = arith.constant 0 : index
    %get3A_70 = arith.constant 0 : index
    %get3A_71 = vector.load %arg4[%get3A_69, %get3A_70] : memref<512x256xf32, #tpu.memory_space<vmem>>, vector<512x256xf32>
    %dot_general3A_72 = arith.constant dense<0.000000e+00> : vector<288x256xf32>
    %dot_general3A_73 = tpu.matmul %get3A_68, %get3A_71, %dot_general3A_72 {dimension_numbers = #tpu.dot_dimension_numbers<[1], [0], [0], [1], [0, 0, 1, 1], [], []>, transpose_lhs_hint = false} : vector<288x512xf32>, vector<512x256xf32>, vector<288x256xf32> -> vector<288x256xf32>
    %mul3A_74 = vector.broadcast %logistic3A_56 : f32 to vector<288x256xf32>
    %mul3A_75 = arith.mulf %mul3A_74, %dot_general3A_73 : vector<288x256xf32>
    %add3A_76 = arith.addf %mul3A_65, %mul3A_75 : vector<288x256xf32>
    %get3A_77 = arith.constant 0 : index
    %get3A_78 = arith.constant 0 : index
    %get3A_79 = vector.load %arg5[%get3A_77, %get3A_78] : memref<1x256xf32, #tpu.memory_space<vmem>>, vector<1x256xf32>
    %add3A_80 = vector.broadcast %get3A_79 : vector<1x256xf32> to vector<288x256xf32>
    %add3A_81 = arith.addf %add3A_76, %add3A_80 : vector<288x256xf32>
    %swap3A = arith.constant 0 : index
    %swap3A_82 = arith.constant 0 : index
    %swap3A_83 = vector.load %arg9[%swap3A, %swap3A_82] : memref<288x256xf32, #tpu.memory_space<vmem>>, vector<288x256xf32>
    tpu.vector_store %arg9[%swap3A, %swap3A_82], %add3A_81 {strides = array<i32>} : memref<288x256xf32, #tpu.memory_space<vmem>>, vector<288x256xf32>,
    return
  }
  func.func @transform_0(%arg0: i32) -> (i32, i32) {
    %c0_i32 = arith.constant 0 : i32
    %c0_i32_0 = arith.constant 0 : i32
    return %arg0, %c0_i32 : i32, i32
  }
  func.func @transform_1(%arg0: i32) -> (i32, i32) {
    %c0_i32 = arith.constant 0 : i32
    %c0_i32_0 = arith.constant 0 : i32
    return %arg0, %c0_i32 : i32, i32
  }
  func.func @transform_2(%arg0: i32) -> (i32, i32) {
    %c0_i32 = arith.constant 0 : i32
    %c0_i32_0 = arith.constant 0 : i32
    %c0_i32_1 = arith.constant 0 : i32
    return %c0_i32, %c0_i32_0 : i32, i32
  }
  func.func @transform_3(%arg0: i32) -> (i32, i32) {
    %c0_i32 = arith.constant 0 : i32
    %c0_i32_0 = arith.constant 0 : i32
    %c0_i32_1 = arith.constant 0 : i32
    return %c0_i32, %c0_i32_0 : i32, i32
  }
  func.func @transform_4(%arg0: i32) -> (i32, i32) {
    %c0_i32 = arith.constant 0 : i32
    %c0_i32_0 = arith.constant 0 : i32
    %c0_i32_1 = arith.constant 0 : i32
    return %c0_i32, %c0_i32_0 : i32, i32
  }
  func.func @transform_5(%arg0: i32) -> i32 {
    %c0_i32 = arith.constant 0 : i32
    %c0_i32_0 = arith.constant 0 : i32
    return %c0_i32 : i32
  }
  func.func @transform_6(%arg0: i32) -> i32 {
    %c0_i32 = arith.constant 0 : i32
    %c0_i32_0 = arith.constant 0 : i32
    return %c0_i32 : i32
  }
  func.func @transform_7(%arg0: i32) -> i32 {
    %c0_i32 = arith.constant 0 : i32
    %c0_i32_0 = arith.constant 0 : i32
    return %c0_i32 : i32
  }
  func.func @transform_8(%arg0: i32) -> (i32, i32) {
    %c0_i32 = arith.constant 0 : i32
    %c0_i32_0 = arith.constant 0 : i32
    return %arg0, %c0_i32 : i32, i32
  }
}

module attributes {stable_mosaic.version = 14 : i64} {
  func.func @_final_body(%arg0: i32, %arg1: memref<288x256xf32, #tpu.memory_space<vmem>>, %arg2: memref<128x256xf32, #tpu.memory_space<vmem>>, %arg3: memref<288x128xf32, #tpu.memory_space<vmem>>) attributes {dimension_semantics = [#tpu.dimension_semantics<arbitrary>], iteration_bounds = array<i64: 0>, scalar_prefetch = 0 : i64, scratch_operands = 0 : i64, tpu.core_type = #tpu.core_type<tc>, window_params = [{transform_indices = @transform_0, window_bounds = array<i64: 288, 256>}, {pipeline_mode = #tpu.pipeline_mode<synchronous>, transform_indices = @transform_1, window_bounds = array<i64: 128, 256>}, {transform_indices = @transform_2, window_bounds = array<i64: 288, 128>}]} {
    %get3A = arith.constant 0 : index
    %get3A_0 = arith.constant 0 : index
    %get3A_1 = vector.load %arg1[%get3A, %get3A_0] : memref<288x256xf32, #tpu.memory_space<vmem>>, vector<288x256xf32>
    %get3A_2 = arith.constant 0 : index
    %get3A_3 = arith.constant 0 : index
    %get3A_4 = vector.load %arg2[%get3A_2, %get3A_3] : memref<128x256xf32, #tpu.memory_space<vmem>>, vector<128x256xf32>
    %dot_general3A = arith.constant dense<0.000000e+00> : vector<288x128xf32>
    %dot_general3A_5 = tpu.matmul %get3A_1, %get3A_4, %dot_general3A {dimension_numbers = #tpu.dot_dimension_numbers<[1], [1], [0], [0], [0, 0, 1, 0], [], []>, transpose_lhs_hint = false} : vector<288x256xf32>, vector<128x256xf32>, vector<288x128xf32> -> vector<288x128xf32>
    %swap3A = arith.constant 0 : index
    %swap3A_6 = arith.constant 0 : index
    %swap3A_7 = vector.load %arg3[%swap3A, %swap3A_6] : memref<288x128xf32, #tpu.memory_space<vmem>>, vector<288x128xf32>
    tpu.vector_store %arg3[%swap3A, %swap3A_6], %dot_general3A_5 {strides = array<i32>} : memref<288x128xf32, #tpu.memory_space<vmem>>, vector<288x128xf32>,
    return
  }
  func.func @transform_0(%arg0: i32) -> (i32, i32) {
    %c0_i32 = arith.constant 0 : i32
    %c0_i32_0 = arith.constant 0 : i32
    return %arg0, %c0_i32 : i32, i32
  }
  func.func @transform_1(%arg0: i32) -> (i32, i32) {
    %c0_i32 = arith.constant 0 : i32
    %c0_i32_0 = arith.constant 0 : i32
    %c0_i32_1 = arith.constant 0 : i32
    return %c0_i32, %c0_i32_0 : i32, i32
  }
  func.func @transform_2(%arg0: i32) -> (i32, i32) {
    %c0_i32 = arith.constant 0 : i32
    %c0_i32_0 = arith.constant 0 : i32
    return %arg0, %c0_i32 : i32, i32
  }
}

</mosaic_0001>

<sc_bundles>
// kernel: kernel.15.cloned.1.call-start
scs
__scs_entry_jumppad:
0x0: {  	(pc) =	sbr.rel $0x88, $3  }
0x1: {  	(tag) =	ssettag $0x0;
	lr =	simm.s32 $0x1  }
0x2: {  	[smem:$0x3F87] =	sst lr;
	_ =	strace $0xD0000000  }
0x3: {  	_ = 	snop  }
0x4: {  	_ = 	snop  }
0x5: {  	_ = 	snop  }
0x6: {  	_ = 	snop  }
0x7: {  	_ = 	snop  }
__scs_overlays_trampoline_lowered:
0x8: {  	[smem:$0x3F96] =	sst s0  }
0x9: {  	[smem:$0x3F97] =	sst s1  }
0xa: {  	[smem:$0x3F98] =	sst s2  }
0xb: {  	[smem:$0x3F99] =	sst s3  }
0xc: {  	[smem:$0x3F9A] =	sst s4  }
0xd: {  	[smem:$0x3F9B] =	sst s5  }
0xe: {  	[smem:$0x3F9C] =	sst s6  }
0xf: {  	[smem:$0x3F9D] =	sst s7  }
0x10: {  	[smem:$0x3F9E] =	sst s8  }
0x11: {  	[smem:$0x3F9F] =	sst s9;
	s0 =	simm.s32 @!p0 $0x0  }
0x12: {  	s1 =	sld [smem:$0x3F85];
	s0 =	simm.s32 @p0 $0x1  }
0x13: {  	[smem:$0x3FA0] =	sst s0;
	s0 =	simm.s32 @!p1 $0x0  }
0x14: {  	s2 =	sld [smem:$0x3F84];
	s0 =	simm.s32 @p1 $0x1  }
0x15: {  	[smem:$0x3FA1] =	sst s0;
	s0 =	simm.s32 @!p2 $0x0  }
0x16: {  	s3 =	sld [smem:$0x3FDB];
	s0 =	simm.s32 @p2 $0x1  }
0x17: {  	s4 =	simm.s32 $0x1BF5;
	[smem:$0x3FA3] =	sst s0  }
0x18: {  	s0 =	sld [smem:$0x3F86];
	_ =	swait.ge [sflag:s4], $0x0  }
0x19: {  	s7 =	sld [smem:$0x3F87]  }
0x1a: {  	s8 =	sadd.s32 $0xFFFFE003, lr  }
0x1b: {  	s9 =	sadd.s32 $0xFFFFFEF7, lr;
	s5 =	simm.s32 $0xFFFFFFFF;
	p2 =	slt.u32 s8, $0xFFFFF086  }
0x1c: {  	p1 =	slt.u32 s9, $0xF7A;
	s5 =	simm.s32 @!p2 $0x0  }
0x1d: {  	s5 =	simm.s32 @p1 $0x1;
	p0 =	seq.s32 s7, s2  }
0x1e: {  	s7 =	smul.u32 @!p0 $0xF7A, s2;
	p2 =	seq.s32 @!p0 s5, $0x0  }
0x1f: {  	s9 =	smul.u32 $0xF7A, s1;
	s8 =	simm.s32 @!p0 $0x1BF5;
	p2 =	por !p2, p0  }
0x20: {  	[sflag:s8] =	ssyncset.s32 @!p0 $0xFFFFF086;
	s6 =	sadd.s32 @!p0 s3, s7;
	s7 =	simm.s32 @!p0 $0x108  }
0x21: {  	s3 =	sadd.s32 s3, s9;
	s6 =	sadd.s32 @!p0 $0x88, s6;
	s7 =	simm.s32 @p2 $0x1082  }
0x22: {  	[simem:s7], [sflag:s8] =	dma.local @!p0 [hbm:s6], $0xF7A  }
0x23: {  	s9 =	sor.u32 $0xD0000000, s2;
	s6 =	simm.s32 $0x108;
	_ =	swait.ge @!p0 [sflag:s8], $0x0  }
0x24: {  	s3 =	sadd.s32 $0x88, s3;
	s6 =	simm.s32 @!p1 $0x1082;
	[sflag:s4] =	ssyncset.s32 $0xFFFFF086  }
0x25: {  	[simem:s6], [sflag:s4] =	dma.local [hbm:s3], $0xF7A  }
0x26: {  	[smem:$0x3F87] =	sst s1;
	(tag) =	ssettag s2;
	_ =	strace s9  }
0x27: {  	s1 =	sld [smem:$0x3F97]  }
0x28: {  	s2 =	sld [smem:$0x3F98]  }
0x29: {  	s4 =	sld [smem:$0x3F9A]  }
0x2a: {  	p0 =	seq.s32 s5, $0x0;
	s5 =	sld [smem:$0x3F9B]  }
0x2b: {  	s6 =	sld [smem:$0x3F9C]  }
0x2c: {  	s7 =	sld [smem:$0x3F9D]  }
0x2d: {  	s3 =	simm.s32 $0x108;
	s8 =	sld [smem:$0x3F9E]  }
0x2e: {  	s3 =	simm.s32 @!p0 $0x1082;
	s9 =	sld [smem:$0x3F9F]  }
0x2f: {  	lr =	sadd.s32 s0, s3;
	s0 =	sld [smem:$0x3F96]  }
0x30: {  	s3 =	sld [smem:$0x3F99]  }
0x31: {  	[smem:$0x3FA2] =	sst s10  }
0x32: {  	s10 =	sld [smem:$0x3FA0];
	_ =	sdelay $0x3  }
0x33: {  	p0 =	seq.s32 s10, $0x1;
	s10 =	sld [smem:$0x3FA2];
	_ =	sdelay $0x3  }
0x34: {  	[smem:$0x3FA2] =	sst s10  }
0x35: {  	s10 =	sld [smem:$0x3FA1];
	_ =	sdelay $0x3  }
0x36: {  	p1 =	seq.s32 s10, $0x1;
	s10 =	sld [smem:$0x3FA2];
	_ =	sdelay $0x3  }
0x37: {  	[smem:$0x3FA2] =	sst s10  }
0x38: {  	s10 =	sld [smem:$0x3FA3]  }
0x39: {  	_ = 	snop;
	(pc) =	sbr.ind lr, $3  }
0x3a: {  	_ = 	snop  }
0x3b: {  	_ = 	snop  }
0x3c: {  	p2 =	seq.s32 s10, $0x1;
	s10 =	sld [smem:$0x3FA2]  }
0x3d: {  	_ =	shalt  }
0x3e: {  	_ =	shalt  }
0x3f: {  	_ =	shalt  }
0x40: {  	_ =	shalt  }
0x41: {  	_ =	shalt  }
0x42: {  	_ =	shalt  }
0x43: {  	_ =	shalt  }
0x44: {  	_ =	shalt  }
0x45: {  	_ =	shalt  }
0x46: {  	_ =	shalt  }
0x47: {  	_ =	shalt  }
0x48: {  	_ =	shalt  }
0x49: {  	_ =	shalt  }
0x4a: {  	_ =	shalt  }
0x4b: {  	_ =	shalt  }
0x4c: {  	_ =	shalt  }
0x4d: {  	_ =	shalt  }
0x4e: {  	_ =	shalt  }
0x4f: {  	_ =	shalt  }
0x50: {  	_ =	shalt  }
0x51: {  	_ =	shalt  }
0x52: {  	_ =	shalt  }
0x53: {  	_ =	shalt  }
0x54: {  	_ =	shalt  }
0x55: {  	_ =	shalt  }
0x56: {  	_ =	shalt  }
0x57: {  	_ =	shalt  }
0x58: {  	_ =	shalt  }
0x59: {  	_ =	shalt  }
0x5a: {  	_ =	shalt  }
0x5b: {  	_ =	shalt  }
0x5c: {  	_ =	shalt  }
0x5d: {  	_ =	shalt  }
0x5e: {  	_ =	shalt  }
0x5f: {  	_ =	shalt  }
0x60: {  	_ =	shalt  }
0x61: {  	_ =	shalt  }
0x62: {  	_ =	shalt  }
0x63: {  	_ =	shalt  }
0x64: {  	_ =	shalt  }
0x65: {  	_ =	shalt  }
0x66: {  	_ =	shalt  }
0x67: {  	_ =	shalt  }
0x68: {  	_ =	shalt  }
0x69: {  	_ =	shalt  }
0x6a: {  	_ =	shalt  }
0x6b: {  	_ =	shalt  }
0x6c: {  	_ =	shalt  }
0x6d: {  	_ =	shalt  }
0x6e: {  	_ =	shalt  }
0x6f: {  	_ =	shalt  }
0x70: {  	_ =	shalt  }
0x71: {  	_ =	shalt  }
0x72: {  	_ =	shalt  }
0x73: {  	_ =	shalt  }
0x74: {  	_ =	shalt  }
0x75: {  	_ =	shalt  }
0x76: {  	_ =	shalt  }
0x77: {  	_ =	shalt  }
0x78: {  	_ =	shalt  }
0x79: {  	_ =	shalt  }
0x7a: {  	_ =	shalt  }
0x7b: {  	_ =	shalt  }
0x7c: {  	_ =	shalt  }
0x7d: {  	_ =	shalt  }
0x7e: {  	_ =	shalt  }
0x7f: {  	_ =	shalt  }
0x80: {  	_ =	shalt  }
0x81: {  	_ =	shalt  }
0x82: {  	_ =	shalt  }
0x83: {  	_ =	shalt  }
0x84: {  	_ =	shalt  }
0x85: {  	_ =	shalt  }
0x86: {  	_ =	shalt  }
0x87: {  	_ =	shalt  }
.Lfunc_end0:
.L_simem_size_0:
called_computation_lowered:
.L_overlay_start_0:
0x88: {  	s2 =	sld [smem:$0x3FD9]  }
0x89: {  	s3 =	sld [smem:$0x3FFE];
	_ =	sdelay $0x1  }
0x8a: {  	s1 =	srdreg.scid  }
0x8b: {  	s0 =	sand.u32 $0x1, s1  }
0x8c: {  	s17 =	sshll.u32 s0, $0xA;
	s2 =	sadd.s32 s3, s2  }
0x8d: {  	s2 =	sadd.s32 s2, s17  }
0x8e: {  	[smem:$0x3FAE] =	sst s2  }
0x8f: {  	_ = 	snop  }
0x90: {  	(tm) =	ssettm $0x1  }
0x91: {  	s18 =	sld [smem:$0x3FFB];
	_ =	sdelay $0x3  }
0x92: {  	_ =	strace s18  }
0x93: {  	s2 =	sld [smem:$0x3FFC];
	_ =	sdelay $0x3  }
0x94: {  	_ =	strace s2  }
0x95: {  	s2 =	sld [smem:$0x3FFD];
	_ =	sdelay $0x3  }
0x96: {  	_ =	strace s2  }
0x97: {  	_ =	strace $0x8FFFFFFF  }
0x98: {  	s19 =	sld [smem:$0x3FDB];
	_ =	sdelay $0x1  }
0x99: {  	s20 =	simm.s32 $_scs_section_size  }
0x9a: {  	s4 =	simm.s32 $_size__tile_overlayer_lowered;
	s5 =	simm.s32 $_tile_overlayer_lowered  }
0x9b: {  	s6 =	simm.s32 $0x1BFF;
	s21 =	sshll.u32 s5, $0x1;
	s3 =	sadd.s32 s20, s19  }
0x9c: {  	s22 =	simm.s32 $0x0;
	s4 =	sshll.u32 s4, $0x1;
	s5 =	sadd.s32 s21, s3  }
0x9d: {  	[timem:s22], [sflag:s6] =	dma.local [hbm:s5], s4  }
0x9e: {  	_ =	swait.ge [sflag:s6], s4  }
0x9f: {  	s4 =	ssub.s32 $0x0, s4;
	[sflag:s6] =	ssyncset.done $0x0  }
0xa0: {  	[sflag:s6] =	ssyncadd.s32 s4;
	_ =	sdelay $0x1  }
0xa1: {  	s23 =	simm.s32 $0x1B8B  }
0xa2: {  	_ =	swait.ge [sflag:s23], $0x1  }
0xa3: {  	[sflag:s23] =	ssyncset.done $0x0  }
0xa4: {  	[sflag:s23] =	ssyncadd.s32 $0xFFFFFFFF  }
0xa5: {  	s4 =	sld [smem:$0x0]  }
0xa6: {  	s5 =	sand.u32 $0xFFFFFFFE, s1  }
0xa7: {  	p0 =	sne.s32 s1, s5  }
0xa8: {  	s5 =	sshll.u32 @p0 s5, $0xE  }
0xa9: {  	s5 =	sadd.s32 @p0 $0x11B8D, s5;
	s6 =	sshll.u32 @p0 s4, $0x11  }
0xaa: {  	s5 =	sor.u32 @p0 s6, s5  }
0xab: {  	[sflag:s5] =	ssyncadd.remote.s32 @p0 $0x1;
	_ =	sdelay $0x1  }
0xac: {  	s5 =	simm.s32 @p0 $0x1B8D  }
0xad: {  	_ =	swait.eq @p0 [sflag:s5], $0x1  }
0xae: {  	[sflag:s5] =	ssyncadd.s32 @p0 $0xFFFFFFFF  }
0xaf: {  	s6 =	sshll.u32 @!p0 s1, $0xE  }
0xb0: {  	s6 =	sor.u32 @!p0 $0x4000, s6;
	s5 =	simm.s32 @!p0 $0x1B8D  }
0xb1: {  	s4 =	sshll.u32 @!p0 s4, $0x11;
	s6 =	sadd.s32 @!p0 $0x11B8D, s6;
	_ =	swait.eq @!p0 [sflag:s5], $0x1  }
0xb2: {  	s4 =	sor.u32 @!p0 s4, s6;
	[sflag:s5] =	ssyncadd.s32 @!p0 $0xFFFFFFFF  }
0xb3: {  	s25 =	simm.s32 $0x1B8E;
	s24 =	sld [smem:$0x3FFE];
	[sflag:s4] =	ssyncadd.remote.s32 @!p0 $0x1  }
0xb4: {  	s26 =	simm.s32 $execute0_lowered;
	[smem:$0x3FD2] =	sst s25  }
0xb5: {  	s5 =	sshll.u32 s26, $0x1;
	_ =	strace $0x80000049;
	[dreg:$0x1] =	wrdreg $0xFFFFFFFF  }
0xb6: {  	s28 =	simm.s32 $_size_execute0_lowered;
	s3 =	sadd.s32 s3, s5;
	[dreg:$0x0] =	wrdreg $0x0  }
0xb7: {  	s5 =	sshll.u32 s28, $0x1;
	[dreg:$0x2] =	wrdreg s3  }
0xb8: {  	[dreg:$0x3] =	wrdreg s5  }
0xb9: {  	[dreg:$0x4] =	wrdreg $0xC0  }
0xba: {  	_ =	task [dreg:s22], $0x5FFFF  }
0xbb: {  	[dreg:$0x1] =	wrdreg $0xFFFFFFFF  }
0xbc: {  	[dreg:$0x0] =	wrdreg $0x60  }
0xbd: {  	[dreg:$0x2] =	wrdreg s24  }
0xbe: {  	[dreg:$0x3] =	wrdreg $0x8000  }
0xbf: {  	[dreg:$0x4] =	wrdreg $0x9  }
0xc0: {  	_ =	task.clear_ibuf [dreg:s22], $0x5FFFF;
	_ =	strace $0x90000049  }
0xc1: {  	s29 =	simm.s32 $0x9;
	_ =	strace $0x8000004B  }
0xc2: {  	_ =	swait.ge [sflag:s29], $0x1  }
0xc3: {  	[sflag:s29] =	ssyncadd.s32 $0xFFFFFFFF  }
0xc4: {  	_ =	strace $0x9000004B  }
0xc5: {  	_ =	sfence  }
0xc6: {  	s30 =	sld [smem:$0x0];
	_ =	sdelay $0x2  }
0xc7: {  	s31 =	sshll.u32 s1, $0xD;
	s1 =	sshrl.u32 s1, $0x2  }
0xc8: {  	s4 =	sand.u32 $0x4000, s31;
	s1 =	sadd.s32 s1, s30  }
0xc9: {  	s0 =	sor.u32 s4, s0;
	s1 =	sshll.u32 s1, $0x11  }
0xca: {  	s0 =	sor.u32 s1, s0  }
0xcb: {  	s0 =	sadd.s32 $0x8F2B, s0  }
0xcc: {  	[sflag:s0] =	ssyncadd.remote.s32 $0x1  }
0xcd: {  	_ =	sfence.sel $0xFFFF  }
0xce: {  	[dreg:$0x0] =	wrdreg $0xFFFFFFFF;
	(pc) =	sbr.abs _section_cstart, $3  }
0xcf: {  	[dreg:$0x1] =	wrdreg $0xFFFFFFFF  }
0xd0: {  	_ =	task.clear_ibuf [dreg:s22], $0x2FFFF;
	_ =	strace $0x9FFFFFFF  }
0xd1: {  	(tm) =	ssettm $0x7FFFFFFF  }
tec
execute0_lowered:
.L_overlay_start_1:
0x0: {  	(tag) =	ssettag $0x1  }
0x1: {  	s5 =	rddreg [dreg:$0x0]  }
0x2: {  	s1 =	rddreg [dreg:$0x1]  }
0x3: {  	s0 =	rddreg [dreg:$0x2];
	s3 =	simm.s32 $0x0;
	s4 =	srdreg.scid  }
0x4: {  	s2 =	stileid.u32;
	s12 =	simm.s32 $0x200;
	s13 =	simm.s32 $0x1  }
0x5: {  	s14 =	simm.s32 $0x80;
	s15 =	simm.s32 $0x100;
	s17 =	simm.s32 $0x2  }
0x6: {  	s18 =	simm.s32 $0x0;
	[smem:$0x7FF] =	sst s3;
	s7 =	sand.u32 $0x1, s4  }
0x7: {  	s8 =	sshll.u32 s2, $0x9;
	s6 =	sshll.u32 s2, $0x4;
	_ =	strace $0x8000004A  }
0x8: {  	s4 =	sshll.u32 s7, $0xD;
	s9 =	ssub.s32 $0x2, s7;
	s6 =	sadd.s32 s6, s5  }
0x9: {  	s16 =	sshll.u32 s7, $0x6;
	s7 =	sadd.s32 s8, s1;
	s4 =	sor.u32 s8, s4  }
0xa: {  	s11 =	sshrl.u32 s9, $0x1;
	v0 =	vmov s16;
	s16 =	simm.s32 $0x400;
	s10 =	sshrl.u32 s4, $0x3  }
0xb: {  	s4 =	sadd.s32 $0x27600, s5;
	s9 =	ssub.s32 s9, s11;
	s11 =	simm.s32 $0x180  }
0xc: {  	s10 =	sadd.s32 s10, s5;
	s5 =	sadd.s32 $0x27200, s6;
	s6 =	sadd.s32 $0x27400, s6  }
0xd: {  	v1 =	vimm.f32 $0.0e+00;
	v2 =	vlaneseq.u32;
	s9 =	smax.u32 s9, $0x1;
	s8 =	sadd.s32 $0xB6A00, s10;
	s10 =	simm.s32 $0x3  }
.LBB2_1:
0xe: {  	[tilespmem:s3], [sflag:$0x3] =	stream.linear.gather [hbm4b:s5+s3], $0x80, $0x38;
	[tilespmem:$0xA08] =	vst v63  }
0xf: {  	_ =	swait.ge [sflag:s10], $0x80  }
0x10: {  	[sflag:s10] =	ssyncset.done $0x0  }
0x11: {  	[sflag:s10] =	ssyncadd.s32 $0xFFFFFF80  }
0x12: {  	[tilespmem:s14], [sflag:$0x3] =	stream.linear.gather [hbm4b:s6+s3], $0x80, $0x38;
	[tilespmem:$0xA08] =	vst v63  }
0x13: {  	_ =	swait.ge [sflag:s10], $0x80  }
0x14: {  	[sflag:s10] =	ssyncset.done $0x0  }
0x15: {  	[sflag:s10] =	ssyncadd.s32 $0xFFFFFF80  }
0x16: {  	v3 =	vld [tilespmem:$0x0]  }
0x17: {  	v4 =	vld [tilespmem:$0x80]  }
0x18: {  	v5 =	vld [tilespmem:$0x10]  }
0x19: {  	v6 =	vld [tilespmem:$0x90]  }
0x1a: {  	v7 =	vld [tilespmem:$0x20]  }
0x1b: {  	v8 =	vld [tilespmem:$0xA0]  }
0x1c: {  	v9 =	vld [tilespmem:$0x30]  }
0x1d: {  	v10 =	vld [tilespmem:$0xB0]  }
0x1e: {  	v11 =	vld [tilespmem:$0x40]  }
0x1f: {  	v12 =	vld [tilespmem:$0xC0]  }
0x20: {  	v13 =	vld [tilespmem:$0x50]  }
0x21: {  	v14 =	vld [tilespmem:$0xD0]  }
0x22: {  	v15 =	vld [tilespmem:$0x60];
	v3 =	vshll.u32 v3, $0x1  }
0x23: {  	v61 =	vld [tilespmem:$0x70];
	v3 =	vadd.s32 v4, v3;
	v4 =	vshll.u32 v5, $0x1  }
0x24: {  	v5 =	vld [tilespmem:$0xE0];
	[tilespmem:$0x100] =	vst v3;
	v3 =	vadd.s32 v6, v4;
	v4 =	vshll.u32 v7, $0x1  }
0x25: {  	v62 =	vld [tilespmem:$0xF0];
	[tilespmem:$0x110] =	vst v3;
	v3 =	vadd.s32 v8, v4;
	v4 =	vshll.u32 v9, $0x1  }
0x26: {  	[tilespmem:$0x120] =	vst v3;
	v3 =	vadd.s32 v10, v4;
	v4 =	vshll.u32 v11, $0x1  }
0x27: {  	[tilespmem:$0x130] =	vst v3;
	v3 =	vadd.s32 v12, v4;
	v4 =	vshll.u32 v13, $0x1  }
0x28: {  	[tilespmem:$0x140] =	vst v3;
	v3 =	vadd.s32 v14, v4;
	v4 =	vshll.u32 v15, $0x1  }
0x29: {  	[tilespmem:$0x150] =	vst v3;
	v3 =	vadd.s32 v5, v4;
	v4 =	vshll.u32 v61, $0x1  }
0x2a: {  	[tilespmem:$0x160] =	vst v3;
	v3 =	vadd.s32 v62, v4  }
0x2b: {  	[tilespmem:$0x170] =	vst v3  }
0x2c: {  	[tilespmem:s11], [sflag:$0x3] =	stream.indirect.gather [hbm4b:s4+s14], $0x1, s15, s14, $0xb8;
	[tilespmem:$0xA08] =	vst v63  }
0x2d: {  	_ =	swait.ge [sflag:s10], $0x80  }
0x2e: {  	[sflag:s10] =	ssyncset.done $0x0  }
0x2f: {  	[sflag:s10] =	ssyncadd.s32 $0xFFFFFF80  }
0x30: {  	[tilespmem:$0x200] =	vst v1  }
0x31: {  	[tilespmem:$0x210] =	vst v1  }
0x32: {  	[tilespmem:$0x220] =	vst v1  }
0x33: {  	[tilespmem:$0x230] =	vst v1  }
0x34: {  	[tilespmem:$0x240] =	vst v1  }
0x35: {  	[tilespmem:$0x250] =	vst v1  }
0x36: {  	[tilespmem:$0x260] =	vst v1  }
0x37: {  	[tilespmem:$0x270] =	vst v1  }
0x38: {  	[tilespmem:$0x280] =	vst v1  }
0x39: {  	[tilespmem:$0x290] =	vst v1  }
0x3a: {  	[tilespmem:$0x2A0] =	vst v1  }
0x3b: {  	[tilespmem:$0x2B0] =	vst v1  }
0x3c: {  	[tilespmem:$0x2C0] =	vst v1  }
0x3d: {  	[tilespmem:$0x2D0] =	vst v1  }
0x3e: {  	[tilespmem:$0x2E0] =	vst v1  }
0x3f: {  	[tilespmem:$0x2F0] =	vst v1  }
0x40: {  	[tilespmem:$0x300] =	vst v1  }
0x41: {  	[tilespmem:$0x310] =	vst v1  }
0x42: {  	[tilespmem:$0x320] =	vst v1  }
0x43: {  	[tilespmem:$0x330] =	vst v1  }
0x44: {  	[tilespmem:$0x340] =	vst v1  }
0x45: {  	[tilespmem:$0x350] =	vst v1  }
0x46: {  	[tilespmem:$0x360] =	vst v1  }
0x47: {  	[tilespmem:$0x370] =	vst v1  }
0x48: {  	[tilespmem:$0x380] =	vst v1  }
0x49: {  	[tilespmem:$0x390] =	vst v1  }
0x4a: {  	[tilespmem:$0x3A0] =	vst v1  }
0x4b: {  	[tilespmem:$0x3B0] =	vst v1  }
0x4c: {  	[tilespmem:$0x3C0] =	vst v1  }
0x4d: {  	[tilespmem:$0x3D0] =	vst v1  }
0x4e: {  	[tilespmem:$0x3E0] =	vst v1  }
0x4f: {  	[tilespmem:$0x3F0] =	vst v1  }
0x50: {  	[spmem:s7] =	stream.linear.scatter [tilespmem:s12], [sflag:$0x1], $0x200, $0x38;
	[tilespmem:$0xA08] =	vst v63  }
0x51: {  	v3 =	vld [tilespmem:s3+$0x0]  }
0x52: {  	v4 =	vld [tilespmem:s14+$0x0];
	_ =	sdelay $0x3  }
0x53: {  	v5 =	vadd.s32 s3, v3  }
0x54: {  	v4 =	vsub.s32 v4, v0;
	v5 =	vadd.s32 v2, v5  }
0x55: {  	v63 =	vshll.u32 v4, $0x7;
	v5 =	vand.u32 $0x3FF, v5  }
0x56: {  	vm0 =	vlt.u32 v4, $0x40;
	v3 =	vadd.s32 v3, v63;
	v4 =	vor.u32 $0x2000, v5  }
0x57: {  	v3 =	vsel vm0, v3, v4  }
0x58: {  	s20 =	simm.s32 $0x10;
	s21 =	simm.s32 $0x20;
	[tilespmem:s15+$0x0] =	vst v3  }
0x59: {  	s22 =	simm.s32 $0x90;
	s19 =	simm.s32 $0x100;
	s23 =	simm.s32 $0x10;
	v3 =	vld [tilespmem:s20+$0x0]  }
.LBB2_2:
0x5a: {  	p0 =	sne.s32 s21, $0x70;
	v4 =	vld [tilespmem:s22+$0x0];
	_ =	sdelay $0x3  }
0x5b: {  	v5 =	vadd.s32 s20, v3;
	s20 =	smov.u32 s21  }
0x5c: {  	v4 =	vsub.s32 v4, v0;
	v5 =	vadd.s32 v2, v5  }
.Ltmp0:
0x5d: {  	v5 =	vand.u32 $0x3FF, v5;
	v6 =	vshll.u32 v4, $0x7;
	(pc) =	sbr.rel @p0 .LBB2_2-.Ltmp0, $4  }
0x5e: {  	vm0 =	vlt.u32 v4, $0x40;
	v3 =	vadd.s32 v3, v6;
	v4 =	vor.u32 $0x2000, v5  }
0x5f: {  	s19 =	sadd.s32 $0x10, s19;
	v3 =	vsel vm0, v3, v4  }
0x60: {  	s23 =	sadd.s32 $0x10, s23;
	[tilespmem:s19+$0x0] =	vst v3  }
0x61: {  	s22 =	sadd.s32 $0x10, s22;
	s21 =	sadd.s32 $0x10, s21;
	v3 =	vld [tilespmem:s23+$0x0]  }
0x62: {  	v4 =	vld [tilespmem:s22+$0x0];
	_ =	sdelay $0x3  }
0x63: {  	v5 =	vadd.s32 s20, v3  }
0x64: {  	v4 =	vsub.s32 v4, v0;
	v5 =	vadd.s32 v2, v5  }
0x65: {  	v5 =	vand.u32 $0x3FF, v5;
	v6 =	vshll.u32 v4, $0x7  }
0x66: {  	vm0 =	vlt.u32 v4, $0x40;
	v3 =	vadd.s32 v3, v6;
	v63 =	vor.u32 $0x2000, v5  }
0x67: {  	s19 =	sadd.s32 $0x10, s19;
	v3 =	vsel vm0, v3, v63  }
0x68: {  	[tilespmem:s19+$0x0] =	vst v3  }
0x69: {  	_ =	swait.ge [sflag:s13], $0x200  }
0x6a: {  	[sflag:s13] =	ssyncset.done $0x0  }
0x6b: {  	[sflag:s13] =	ssyncadd.s32 $0xFFFFFE00  }
0x6c: {  	[bflag:$0x0] =	sbarrier.arrive $0xFFFF  }
0x6d: {  	[spmem:s1] =	stream.indirect.scatter.add.f32 [tilespmem:s11], [sflag:$0x3], $0x1, s15, s14, $0xb8;
	[tilespmem:$0xA08] =	vst v63  }
0x6e: {  	_ =	swait.ge [sflag:s10], $0x80  }
0x6f: {  	[sflag:s10] =	ssyncset.done $0x0  }
0x70: {  	[sflag:s10] =	ssyncadd.s32 $0xFFFFFF80  }
0x71: {  	[bflag:$0x0] =	sbarrier.arrive $0xFFFF  }
0x72: {  	[tilespmem:s16], [sflag:$0x3] =	stream.linear.gather [spmem:s7], $0x200, $0x38;
	[tilespmem:$0xA08] =	vst v63  }
0x73: {  	_ =	swait.ge [sflag:s10], $0x200  }
0x74: {  	s18 =	sadd.s32 $0x1, s18;
	[sflag:s10] =	ssyncset.done $0x0  }
0x75: {  	p0 =	sne.s32 s18, s9;
	[sflag:s10] =	ssyncadd.s32 $0xFFFFFE00  }
0x76: {  	[hbm4b:s8+s3] =	stream.linear.scatter [tilespmem:s16], [sflag:$0x2], $0x200, $0x38;
	[tilespmem:$0xA08] =	vst v63  }
.Ltmp1:
0x77: {  	_ =	swait.ge [sflag:s17], $0x200;
	(pc) =	sbr.rel @p0 .LBB2_1-.Ltmp1, $3  }
0x78: {  	[sflag:s17] =	ssyncset.done $0x0  }
0x79: {  	[sflag:s17] =	ssyncadd.s32 $0xFFFFFE00  }
0x7a: {  	[bflag:$0x0] =	sbarrier.arrive $0xFFFF;
	_ =	sdelay $0x1  }
0x7b: {  	_ =	sfence.sel $0x180000  }
0x7c: {  	[bflag:$0x0] =	sbarrier.arrive $0xFFFF  }
0x7d: {  	p0 =	sne.s32 s2, $0x0;
	_ =	strace $0x9000004A  }
0x7e: {  	s0 =	sadd.s32 @!p0 $0x100000, s0;
	[bflag:$0x2] =	sbarrier.arrive $0xFFFF  }
0x7f: {  	[sflag:s0] =	ssyncadd.tile.s32 @!p0 $0x1;
	_ =	shalt  }
.Lfunc_end2:
_tile_overlayer_lowered:
.L_overlay_start_2:
0x80: {  	(tag) =	ssettag $0x2  }
0x81: {  	s0 =	rddreg [dreg:$0x0];
	s2 =	stileid.u32  }
0x82: {  	s1 =	rddreg [dreg:$0x1];
	p0 =	sne.s32 s2, $0x0  }
0x83: {  	s3 =	rddreg [dreg:$0x2];
	[bflag:$0x3] =	sbarrier.arrive $0xFFFF;
	s2 =	simm.s32 @!p0 $0x1C03  }
0x84: {  	[timem:s3], [sflag:s2] =	dma.local @!p0 [hbm:s0], s1  }
0x85: {  	s0 =	simm.s32 @!p0 $0x3  }
0x86: {  	_ =	swait.ge @!p0 [sflag:s0], s1  }
0x87: {  	s1 =	ssub.s32 @!p0 $0x0, s1;
	[sflag:s0] =	ssyncset.done @!p0 $0x0  }
0x88: {  	[sflag:s0] =	ssyncadd.s32 @!p0 s1  }
0x89: {  	[bflag:$0x3] =	sbarrier.arrive $0xFFFF  }
0x8a: {  	_ =	shalt  }

// kernel: kernel.18.cloned.1.call-start
scs
__scs_entry_jumppad:
0x0: {  	(pc) =	sbr.rel $0x88, $3  }
0x1: {  	(tag) =	ssettag $0x0;
	lr =	simm.s32 $0x1  }
0x2: {  	[smem:$0x3F87] =	sst lr;
	_ =	strace $0xD0000000  }
0x3: {  	_ = 	snop  }
0x4: {  	_ = 	snop  }
0x5: {  	_ = 	snop  }
0x6: {  	_ = 	snop  }
0x7: {  	_ = 	snop  }
__scs_overlays_trampoline_lowered:
0x8: {  	[smem:$0x3F96] =	sst s0  }
0x9: {  	[smem:$0x3F97] =	sst s1  }
0xa: {  	[smem:$0x3F98] =	sst s2  }
0xb: {  	[smem:$0x3F99] =	sst s3  }
0xc: {  	[smem:$0x3F9A] =	sst s4  }
0xd: {  	[smem:$0x3F9B] =	sst s5  }
0xe: {  	[smem:$0x3F9C] =	sst s6  }
0xf: {  	[smem:$0x3F9D] =	sst s7  }
0x10: {  	[smem:$0x3F9E] =	sst s8  }
0x11: {  	[smem:$0x3F9F] =	sst s9;
	s0 =	simm.s32 @!p0 $0x0  }
0x12: {  	s1 =	sld [smem:$0x3F85];
	s0 =	simm.s32 @p0 $0x1  }
0x13: {  	[smem:$0x3FA0] =	sst s0;
	s0 =	simm.s32 @!p1 $0x0  }
0x14: {  	s2 =	sld [smem:$0x3F84];
	s0 =	simm.s32 @p1 $0x1  }
0x15: {  	[smem:$0x3FA1] =	sst s0;
	s0 =	simm.s32 @!p2 $0x0  }
0x16: {  	s3 =	sld [smem:$0x3FDB];
	s0 =	simm.s32 @p2 $0x1  }
0x17: {  	s4 =	simm.s32 $0x1BF5;
	[smem:$0x3FA3] =	sst s0  }
0x18: {  	s0 =	sld [smem:$0x3F86];
	_ =	swait.ge [sflag:s4], $0x0  }
0x19: {  	s7 =	sld [smem:$0x3F87]  }
0x1a: {  	s8 =	sadd.s32 $0xFFFFE003, lr  }
0x1b: {  	s9 =	sadd.s32 $0xFFFFFEF7, lr;
	s5 =	simm.s32 $0xFFFFFFFF;
	p2 =	slt.u32 s8, $0xFFFFF086  }
0x1c: {  	p1 =	slt.u32 s9, $0xF7A;
	s5 =	simm.s32 @!p2 $0x0  }
0x1d: {  	s5 =	simm.s32 @p1 $0x1;
	p0 =	seq.s32 s7, s2  }
0x1e: {  	s7 =	smul.u32 @!p0 $0xF7A, s2;
	p2 =	seq.s32 @!p0 s5, $0x0  }
0x1f: {  	s9 =	smul.u32 $0xF7A, s1;
	s8 =	simm.s32 @!p0 $0x1BF5;
	p2 =	por !p2, p0  }
0x20: {  	[sflag:s8] =	ssyncset.s32 @!p0 $0xFFFFF086;
	s6 =	sadd.s32 @!p0 s3, s7;
	s7 =	simm.s32 @!p0 $0x108  }
0x21: {  	s3 =	sadd.s32 s3, s9;
	s6 =	sadd.s32 @!p0 $0x88, s6;
	s7 =	simm.s32 @p2 $0x1082  }
0x22: {  	[simem:s7], [sflag:s8] =	dma.local @!p0 [hbm:s6], $0xF7A  }
0x23: {  	s9 =	sor.u32 $0xD0000000, s2;
	s6 =	simm.s32 $0x108;
	_ =	swait.ge @!p0 [sflag:s8], $0x0  }
0x24: {  	s3 =	sadd.s32 $0x88, s3;
	s6 =	simm.s32 @!p1 $0x1082;
	[sflag:s4] =	ssyncset.s32 $0xFFFFF086  }
0x25: {  	[simem:s6], [sflag:s4] =	dma.local [hbm:s3], $0xF7A  }
0x26: {  	[smem:$0x3F87] =	sst s1;
	(tag) =	ssettag s2;
	_ =	strace s9  }
0x27: {  	s1 =	sld [smem:$0x3F97]  }
0x28: {  	s2 =	sld [smem:$0x3F98]  }
0x29: {  	s4 =	sld [smem:$0x3F9A]  }
0x2a: {  	p0 =	seq.s32 s5, $0x0;
	s5 =	sld [smem:$0x3F9B]  }
0x2b: {  	s6 =	sld [smem:$0x3F9C]  }
0x2c: {  	s7 =	sld [smem:$0x3F9D]  }
0x2d: {  	s3 =	simm.s32 $0x108;
	s8 =	sld [smem:$0x3F9E]  }
0x2e: {  	s3 =	simm.s32 @!p0 $0x1082;
	s9 =	sld [smem:$0x3F9F]  }
0x2f: {  	lr =	sadd.s32 s0, s3;
	s0 =	sld [smem:$0x3F96]  }
0x30: {  	s3 =	sld [smem:$0x3F99]  }
0x31: {  	[smem:$0x3FA2] =	sst s10  }
0x32: {  	s10 =	sld [smem:$0x3FA0];
	_ =	sdelay $0x3  }
0x33: {  	p0 =	seq.s32 s10, $0x1;
	s10 =	sld [smem:$0x3FA2];
	_ =	sdelay $0x3  }
0x34: {  	[smem:$0x3FA2] =	sst s10  }
0x35: {  	s10 =	sld [smem:$0x3FA1];
	_ =	sdelay $0x3  }
0x36: {  	p1 =	seq.s32 s10, $0x1;
	s10 =	sld [smem:$0x3FA2];
	_ =	sdelay $0x3  }
0x37: {  	[smem:$0x3FA2] =	sst s10  }
0x38: {  	s10 =	sld [smem:$0x3FA3]  }
0x39: {  	_ = 	snop;
	(pc) =	sbr.ind lr, $3  }
0x3a: {  	_ = 	snop  }
0x3b: {  	_ = 	snop  }
0x3c: {  	p2 =	seq.s32 s10, $0x1;
	s10 =	sld [smem:$0x3FA2]  }
0x3d: {  	_ =	shalt  }
0x3e: {  	_ =	shalt  }
0x3f: {  	_ =	shalt  }
0x40: {  	_ =	shalt  }
0x41: {  	_ =	shalt  }
0x42: {  	_ =	shalt  }
0x43: {  	_ =	shalt  }
0x44: {  	_ =	shalt  }
0x45: {  	_ =	shalt  }
0x46: {  	_ =	shalt  }
0x47: {  	_ =	shalt  }
0x48: {  	_ =	shalt  }
0x49: {  	_ =	shalt  }
0x4a: {  	_ =	shalt  }
0x4b: {  	_ =	shalt  }
0x4c: {  	_ =	shalt  }
0x4d: {  	_ =	shalt  }
0x4e: {  	_ =	shalt  }
0x4f: {  	_ =	shalt  }
0x50: {  	_ =	shalt  }
0x51: {  	_ =	shalt  }
0x52: {  	_ =	shalt  }
0x53: {  	_ =	shalt  }
0x54: {  	_ =	shalt  }
0x55: {  	_ =	shalt  }
0x56: {  	_ =	shalt  }
0x57: {  	_ =	shalt  }
0x58: {  	_ =	shalt  }
0x59: {  	_ =	shalt  }
0x5a: {  	_ =	shalt  }
0x5b: {  	_ =	shalt  }
0x5c: {  	_ =	shalt  }
0x5d: {  	_ =	shalt  }
0x5e: {  	_ =	shalt  }
0x5f: {  	_ =	shalt  }
0x60: {  	_ =	shalt  }
0x61: {  	_ =	shalt  }
0x62: {  	_ =	shalt  }
0x63: {  	_ =	shalt  }
0x64: {  	_ =	shalt  }
0x65: {  	_ =	shalt  }
0x66: {  	_ =	shalt  }
0x67: {  	_ =	shalt  }
0x68: {  	_ =	shalt  }
0x69: {  	_ =	shalt  }
0x6a: {  	_ =	shalt  }
0x6b: {  	_ =	shalt  }
0x6c: {  	_ =	shalt  }
0x6d: {  	_ =	shalt  }
0x6e: {  	_ =	shalt  }
0x6f: {  	_ =	shalt  }
0x70: {  	_ =	shalt  }
0x71: {  	_ =	shalt  }
0x72: {  	_ =	shalt  }
0x73: {  	_ =	shalt  }
0x74: {  	_ =	shalt  }
0x75: {  	_ =	shalt  }
0x76: {  	_ =	shalt  }
0x77: {  	_ =	shalt  }
0x78: {  	_ =	shalt  }
0x79: {  	_ =	shalt  }
0x7a: {  	_ =	shalt  }
0x7b: {  	_ =	shalt  }
0x7c: {  	_ =	shalt  }
0x7d: {  	_ =	shalt  }
0x7e: {  	_ =	shalt  }
0x7f: {  	_ =	shalt  }
0x80: {  	_ =	shalt  }
0x81: {  	_ =	shalt  }
0x82: {  	_ =	shalt  }
0x83: {  	_ =	shalt  }
0x84: {  	_ =	shalt  }
0x85: {  	_ =	shalt  }
0x86: {  	_ =	shalt  }
0x87: {  	_ =	shalt  }
.Lfunc_end0:
.L_simem_size_0:
called_computation.1_lowered:
.L_overlay_start_0:
0x88: {  	s2 =	sld [smem:$0x3FD9]  }
0x89: {  	s3 =	sld [smem:$0x3FFE];
	_ =	sdelay $0x1  }
0x8a: {  	s1 =	srdreg.scid  }
0x8b: {  	s0 =	sand.u32 $0x1, s1  }
0x8c: {  	s16 =	sshll.u32 s0, $0xA;
	s2 =	sadd.s32 s3, s2  }
0x8d: {  	s2 =	sadd.s32 s2, s16  }
0x8e: {  	[smem:$0x3FAE] =	sst s2  }
0x8f: {  	_ = 	snop  }
0x90: {  	(tm) =	ssettm $0x1  }
0x91: {  	s17 =	sld [smem:$0x3FFB];
	_ =	sdelay $0x3  }
0x92: {  	_ =	strace s17  }
0x93: {  	s2 =	sld [smem:$0x3FFC];
	_ =	sdelay $0x3  }
0x94: {  	_ =	strace s2  }
0x95: {  	s2 =	sld [smem:$0x3FFD];
	_ =	sdelay $0x3  }
0x96: {  	_ =	strace s2  }
0x97: {  	_ =	strace $0x8FFFFFFF  }
0x98: {  	s18 =	sld [smem:$0x3FDB];
	_ =	sdelay $0x1  }
0x99: {  	s19 =	simm.s32 $_scs_section_size  }
0x9a: {  	s4 =	simm.s32 $_size__tile_overlayer_lowered;
	s5 =	simm.s32 $_tile_overlayer_lowered  }
0x9b: {  	s22 =	simm.s32 $0x1BFF;
	s21 =	sshll.u32 s5, $0x1;
	s2 =	sadd.s32 s19, s18  }
0x9c: {  	s6 =	simm.s32 $0x0;
	s20 =	sshll.u32 s4, $0x1;
	s4 =	sadd.s32 s21, s2  }
0x9d: {  	[timem:s6], [sflag:s22] =	dma.local [hbm:s4], s20  }
0x9e: {  	_ =	swait.ge [sflag:s22], s20  }
0x9f: {  	s3 =	ssub.s32 $0x0, s20;
	[sflag:s22] =	ssyncset.done $0x0  }
0xa0: {  	[sflag:s22] =	ssyncadd.s32 s3;
	_ =	sdelay $0x1  }
0xa1: {  	s23 =	simm.s32 $0x1B8B  }
0xa2: {  	_ =	swait.ge [sflag:s23], $0x1  }
0xa3: {  	[sflag:s23] =	ssyncset.done $0x0  }
0xa4: {  	s25 =	simm.s32 $0x1B8E;
	s24 =	sld [smem:$0x3FFE];
	[sflag:s23] =	ssyncadd.s32 $0xFFFFFFFF  }
0xa5: {  	s26 =	simm.s32 $execute0_lowered;
	[smem:$0x3FD2] =	sst s25  }
0xa6: {  	s4 =	sshll.u32 s26, $0x1;
	_ =	strace $0x80000046;
	[dreg:$0x1] =	wrdreg $0xFFFFFFFF  }
0xa7: {  	s28 =	simm.s32 $_size_execute0_lowered;
	s2 =	sadd.s32 s2, s4;
	[dreg:$0x0] =	wrdreg $0x0  }
0xa8: {  	s4 =	sshll.u32 s28, $0x1;
	[dreg:$0x2] =	wrdreg s2  }
0xa9: {  	[dreg:$0x3] =	wrdreg s4  }
0xaa: {  	[dreg:$0x4] =	wrdreg $0xC0  }
0xab: {  	_ =	task [dreg:s6], $0x5FFFF  }
0xac: {  	[dreg:$0x1] =	wrdreg $0xFFFFFFFF  }
0xad: {  	[dreg:$0x0] =	wrdreg $0x60  }
0xae: {  	[dreg:$0x2] =	wrdreg s24  }
0xaf: {  	[dreg:$0x3] =	wrdreg $0x5000  }
0xb0: {  	[dreg:$0x4] =	wrdreg $0xA  }
0xb1: {  	_ =	task.clear_ibuf [dreg:s6], $0x5FFFF;
	_ =	strace $0x90000046  }
0xb2: {  	s29 =	simm.s32 $0xA;
	_ =	strace $0x80000048  }
0xb3: {  	_ =	swait.ge [sflag:s29], $0x1  }
0xb4: {  	[sflag:s29] =	ssyncadd.s32 $0xFFFFFFFF  }
0xb5: {  	_ =	strace $0x90000048  }
0xb6: {  	_ =	sfence  }
0xb7: {  	s30 =	sld [smem:$0x0];
	_ =	sdelay $0x2  }
0xb8: {  	s31 =	sshll.u32 s1, $0xD;
	s1 =	sshrl.u32 s1, $0x2  }
0xb9: {  	s3 =	sand.u32 $0x4000, s31;
	s1 =	sadd.s32 s1, s30  }
0xba: {  	s0 =	sor.u32 s3, s0;
	s1 =	sshll.u32 s1, $0x11  }
0xbb: {  	s0 =	sor.u32 s1, s0  }
0xbc: {  	s0 =	sadd.s32 $0x8F2B, s0  }
0xbd: {  	[sflag:s0] =	ssyncadd.remote.s32 $0x1  }
0xbe: {  	_ =	sfence.sel $0xFFFF  }
0xbf: {  	[dreg:$0x0] =	wrdreg $0xFFFFFFFF;
	(pc) =	sbr.abs _section_cstart, $3  }
0xc0: {  	[dreg:$0x1] =	wrdreg $0xFFFFFFFF  }
0xc1: {  	_ =	task.clear_ibuf [dreg:s6], $0x2FFFF;
	_ =	strace $0x9FFFFFFF  }
0xc2: {  	(tm) =	ssettm $0x7FFFFFFF  }
0xc3: {  	_ =	shalt  }
tec
execute0_lowered:
.L_overlay_start_1:
0x0: {  	(tag) =	ssettag $0x1  }
0x1: {  	s5 =	rddreg [dreg:$0x0]  }
0x2: {  	s1 =	rddreg [dreg:$0x1]  }
0x3: {  	s0 =	rddreg [dreg:$0x2];
	s3 =	simm.s32 $0x0;
	s4 =	srdreg.scid  }
0x4: {  	s2 =	stileid.u32;
	s15 =	simm.s32 $0x300;
	s16 =	simm.s32 $0x2  }
0x5: {  	s18 =	simm.s32 $0x100;
	s19 =	simm.s32 $0x0;
	[smem:$0x7FF] =	sst s3  }
0x6: {  	s7 =	sand.u32 $0x1, s4;
	s26 =	sshll.u32 s2, $0x4;
	s4 =	sadd.s32 $0x4800, s5  }
0x7: {  	s10 =	sadd.s32 $0x26A00, s5;
	s28 =	sshll.u32 s2, $0x8;
	_ =	strace $0x80000047  }
0x8: {  	s6 =	ssub.s32 $0x2, s7;
	s8 =	sadd.s32 s26, s5;
	s12 =	sshll.u32 s7, $0xD  }
0x9: {  	s13 =	sshllo.u32 s7, $0x1;
	s14 =	sshll.u32 s7, $0x6;
	s7 =	sadd.s32 s28, s1  }
0xa: {  	s9 =	sshrl.u32 s6, $0x1;
	s5 =	sadd.s32 $0x26600, s8;
	s29 =	sor.u32 s28, s12  }
0xb: {  	s30 =	sshll.u32 s13, $0xC;
	s17 =	sshll.u32 s13, $0x5;
	s13 =	simm.s32 $0x200  }
0xc: {  	v0 =	vmov s14;
	s14 =	simm.s32 $0x1;
	s11 =	ssub.s32 s6, s9;
	s6 =	sadd.s32 $0x26800, s8  }
0xd: {  	s8 =	sshrl.u32 s29, $0x3;
	s12 =	sor.u32 s28, s30;
	v1 =	vmov s17;
	s17 =	simm.s32 $0x80  }
0xe: {  	s8 =	sadd.s32 s10, s8;
	s31 =	sshrl.u32 s12, $0x3;
	s12 =	simm.s32 $0x180  }
0xf: {  	v2 =	vimm.f32 $0.0e+00;
	v3 =	vlaneseq.u32;
	s9 =	sadd.s32 s10, s31;
	s10 =	smax.u32 s11, $0x1;
	s11 =	simm.s32 $0x3  }
.LBB2_1:
0x10: {  	[tilespmem:s3], [sflag:$0x3] =	stream.linear.gather [hbm4b:s5+s3], $0x80, $0x38;
	[tilespmem:$0x608] =	vst v63  }
0x11: {  	_ =	swait.ge [sflag:s11], $0x80  }
0x12: {  	[sflag:s11] =	ssyncset.done $0x0  }
0x13: {  	[sflag:s11] =	ssyncadd.s32 $0xFFFFFF80  }
0x14: {  	[tilespmem:s17], [sflag:$0x3] =	stream.linear.gather [hbm4b:s6+s3], $0x80, $0x38;
	[tilespmem:$0x608] =	vst v63  }
0x15: {  	_ =	swait.ge [sflag:s11], $0x80  }
0x16: {  	[sflag:s11] =	ssyncset.done $0x0  }
0x17: {  	[sflag:s11] =	ssyncadd.s32 $0xFFFFFF80  }
0x18: {  	v4 =	vld [tilespmem:$0x0]  }
0x19: {  	v5 =	vld [tilespmem:$0x80]  }
0x1a: {  	v6 =	vld [tilespmem:$0x10]  }
0x1b: {  	v7 =	vld [tilespmem:$0x90]  }
0x1c: {  	v8 =	vld [tilespmem:$0x20]  }
0x1d: {  	v9 =	vld [tilespmem:$0xA0]  }
0x1e: {  	v10 =	vld [tilespmem:$0x30]  }
0x1f: {  	v11 =	vld [tilespmem:$0xB0]  }
0x20: {  	v12 =	vld [tilespmem:$0x40]  }
0x21: {  	v13 =	vld [tilespmem:$0xC0]  }
0x22: {  	v14 =	vld [tilespmem:$0x50]  }
0x23: {  	v15 =	vld [tilespmem:$0xD0]  }
0x24: {  	v16 =	vld [tilespmem:$0x60];
	v4 =	vshll.u32 v4, $0x1  }
0x25: {  	v4 =	vadd.s32 v5, v4;
	v5 =	vshll.u32 v6, $0x1;
	v6 =	vld [tilespmem:$0xE0]  }
0x26: {  	[tilespmem:$0x100] =	vst v4;
	v4 =	vadd.s32 v7, v5;
	v5 =	vshll.u32 v8, $0x1;
	v7 =	vld [tilespmem:$0x70]  }
0x27: {  	v63 =	vld [tilespmem:$0xF0];
	[tilespmem:$0x110] =	vst v4;
	v4 =	vadd.s32 v9, v5;
	v5 =	vshll.u32 v10, $0x1  }
0x28: {  	[tilespmem:$0x120] =	vst v4;
	v4 =	vadd.s32 v11, v5;
	v5 =	vshll.u32 v12, $0x1  }
0x29: {  	[tilespmem:$0x130] =	vst v4;
	v4 =	vadd.s32 v13, v5;
	v5 =	vshll.u32 v14, $0x1  }
0x2a: {  	[tilespmem:$0x140] =	vst v4;
	v4 =	vadd.s32 v15, v5;
	v5 =	vshll.u32 v16, $0x1  }
0x2b: {  	[tilespmem:$0x150] =	vst v4;
	v4 =	vadd.s32 v6, v5;
	v5 =	vshll.u32 v7, $0x1  }
0x2c: {  	[tilespmem:$0x160] =	vst v4;
	v4 =	vadd.s32 v63, v5  }
0x2d: {  	[tilespmem:$0x170] =	vst v4  }
0x2e: {  	[tilespmem:s12], [sflag:$0x3] =	stream.indirect.gather [hbm4b:s4+s17], $0x1, s18, s17, $0xb8;
	[tilespmem:$0x608] =	vst v63  }
0x2f: {  	_ =	swait.ge [sflag:s11], $0x80  }
0x30: {  	[sflag:s11] =	ssyncset.done $0x0  }
0x31: {  	[sflag:s11] =	ssyncadd.s32 $0xFFFFFF80  }
0x32: {  	[tilespmem:$0x200] =	vst v2  }
0x33: {  	[tilespmem:$0x210] =	vst v2  }
0x34: {  	[tilespmem:$0x220] =	vst v2  }
0x35: {  	[tilespmem:$0x230] =	vst v2  }
0x36: {  	[tilespmem:$0x240] =	vst v2  }
0x37: {  	[tilespmem:$0x250] =	vst v2  }
0x38: {  	[tilespmem:$0x260] =	vst v2  }
0x39: {  	[tilespmem:$0x270] =	vst v2  }
0x3a: {  	[tilespmem:$0x280] =	vst v2  }
0x3b: {  	[tilespmem:$0x290] =	vst v2  }
0x3c: {  	[tilespmem:$0x2A0] =	vst v2  }
0x3d: {  	[tilespmem:$0x2B0] =	vst v2  }
0x3e: {  	[tilespmem:$0x2C0] =	vst v2  }
0x3f: {  	[tilespmem:$0x2D0] =	vst v2  }
0x40: {  	[tilespmem:$0x2E0] =	vst v2  }
0x41: {  	[tilespmem:$0x2F0] =	vst v2  }
0x42: {  	[spmem:s7] =	stream.linear.scatter [tilespmem:s13], [sflag:$0x1], $0x100, $0x38;
	[tilespmem:$0x608] =	vst v63  }
0x43: {  	v4 =	vld [tilespmem:s3+$0x0]  }
0x44: {  	v5 =	vld [tilespmem:s17+$0x0];
	_ =	sdelay $0x3  }
0x45: {  	v6 =	vadd.s32 s3, v4  }
0x46: {  	v5 =	vsub.s32 v5, v0;
	v6 =	vadd.s32 v3, v6  }
0x47: {  	v7 =	vshll.u32 v5, $0x7;
	v6 =	vand.u32 $0x3FF, v6  }
0x48: {  	vm0 =	vlt.u32 v5, $0x20;
	v4 =	vadd.s32 v4, v7;
	v5 =	vor.u32 $0x1000, v6  }
0x49: {  	v4 =	vsel vm0, v4, v5  }
0x4a: {  	s21 =	simm.s32 $0x10;
	s22 =	simm.s32 $0x20;
	[tilespmem:s18+$0x0] =	vst v4  }
0x4b: {  	s23 =	simm.s32 $0x90;
	s20 =	simm.s32 $0x100;
	s24 =	simm.s32 $0x10;
	v4 =	vld [tilespmem:s21+$0x0]  }
.LBB2_2:
0x4c: {  	p0 =	sne.s32 s22, $0x70;
	v5 =	vld [tilespmem:s23+$0x0];
	_ =	sdelay $0x3  }
0x4d: {  	v6 =	vadd.s32 s21, v4;
	s21 =	smov.u32 s22  }
0x4e: {  	v5 =	vsub.s32 v5, v0;
	v6 =	vadd.s32 v3, v6  }
.Ltmp0:
0x4f: {  	v6 =	vand.u32 $0x3FF, v6;
	v7 =	vshll.u32 v5, $0x7;
	(pc) =	sbr.rel @p0 .LBB2_2-.Ltmp0, $4  }
0x50: {  	vm0 =	vlt.u32 v5, $0x20;
	v4 =	vadd.s32 v4, v7;
	v5 =	vor.u32 $0x1000, v6  }
0x51: {  	s20 =	sadd.s32 $0x10, s20;
	v4 =	vsel vm0, v4, v5  }
0x52: {  	s24 =	sadd.s32 $0x10, s24;
	[tilespmem:s20+$0x0] =	vst v4  }
0x53: {  	s23 =	sadd.s32 $0x10, s23;
	s22 =	sadd.s32 $0x10, s22;
	v4 =	vld [tilespmem:s24+$0x0]  }
0x54: {  	v5 =	vld [tilespmem:s23+$0x0];
	_ =	sdelay $0x3  }
0x55: {  	v6 =	vadd.s32 s21, v4  }
0x56: {  	v5 =	vsub.s32 v5, v0;
	v6 =	vadd.s32 v3, v6  }
0x57: {  	v6 =	vand.u32 $0x3FF, v6;
	v7 =	vshll.u32 v5, $0x7  }
0x58: {  	vm0 =	vlt.u32 v5, $0x20;
	v4 =	vadd.s32 v4, v7;
	v5 =	vor.u32 $0x1000, v6  }
0x59: {  	s20 =	sadd.s32 $0x10, s20;
	v4 =	vsel vm0, v4, v5  }
0x5a: {  	[tilespmem:s20+$0x0] =	vst v4  }
0x5b: {  	_ =	swait.ge [sflag:s14], $0x100  }
0x5c: {  	[sflag:s14] =	ssyncset.done $0x0  }
0x5d: {  	[sflag:s14] =	ssyncadd.s32 $0xFFFFFF00  }
0x5e: {  	s31 =	simm.s32 $0x80;
	s20 =	simm.s32 $0x100;
	[bflag:$0x0] =	sbarrier.arrive $0xFFFF  }
0x5f: {  	[spmem:s1] =	stream.indirect.scatter.add.f32 [tilespmem:s12], [sflag:$0x3], $0x1, s20, s31, $0xb8;
	[tilespmem:$0x608] =	vst v63  }
0x60: {  	_ =	swait.ge [sflag:s11], $0x80  }
0x61: {  	[sflag:s11] =	ssyncset.done $0x0  }
0x62: {  	[sflag:s11] =	ssyncadd.s32 $0xFFFFFF80  }
0x63: {  	[bflag:$0x0] =	sbarrier.arrive $0xFFFF  }
0x64: {  	[tilespmem:s15], [sflag:$0x3] =	stream.linear.gather [spmem:s7], $0x100, $0x38;
	[tilespmem:$0x608] =	vst v63  }
0x65: {  	_ =	swait.ge [sflag:s11], $0x100  }
0x66: {  	[sflag:s11] =	ssyncset.done $0x0  }
0x67: {  	s22 =	simm.s32 $0x0;
	[sflag:s11] =	ssyncadd.s32 $0xFFFFFF00  }
0x68: {  	[hbm4b:s8+s22] =	stream.linear.scatter [tilespmem:s15], [sflag:$0x2], $0x100, $0x38;
	[tilespmem:$0x608] =	vst v63  }
0x69: {  	_ =	swait.ge [sflag:s16], $0x100  }
0x6a: {  	[sflag:s16] =	ssyncset.done $0x0  }
0x6b: {  	[sflag:s16] =	ssyncadd.s32 $0xFFFFFF00  }
0x6c: {  	[bflag:$0x0] =	sbarrier.arrive $0xFFFF  }
0x6d: {  	[spmem:s7] =	stream.linear.scatter [tilespmem:s13], [sflag:$0x1], $0x100, $0x38;
	[tilespmem:$0x608] =	vst v63  }
0x6e: {  	v4 =	vld [tilespmem:s22+$0x0]  }
0x6f: {  	v5 =	vld [tilespmem:s31+$0x0];
	_ =	sdelay $0x3  }
0x70: {  	v6 =	vadd.s32 s22, v4  }
0x71: {  	v5 =	vsub.s32 v5, v1;
	v6 =	vadd.s32 v3, v6  }
0x72: {  	v7 =	vshll.u32 v5, $0x7;
	v6 =	vand.u32 $0x3FF, v6  }
0x73: {  	vm15 =	vlt.u32 v5, $0x20;
	v4 =	vadd.s32 v4, v7;
	v5 =	vor.u32 $0x1000, v6  }
0x74: {  	v4 =	vsel vm15, v4, v5  }
0x75: {  	s21 =	simm.s32 $0x10;
	[tilespmem:s20+$0x0] =	vst v4  }
0x76: {  	s23 =	simm.s32 $0x20;
	s24 =	simm.s32 $0x10;
	s22 =	simm.s32 $0x90;
	v4 =	vld [tilespmem:s21+$0x0]  }
.LBB2_4:
0x77: {  	p0 =	sne.s32 s23, $0x70;
	v5 =	vld [tilespmem:s22+$0x0];
	_ =	sdelay $0x3  }
0x78: {  	v6 =	vadd.s32 s21, v4;
	s21 =	smov.u32 s23  }
0x79: {  	v5 =	vsub.s32 v5, v1;
	v6 =	vadd.s32 v3, v6  }
.Ltmp1:
0x7a: {  	v6 =	vand.u32 $0x3FF, v6;
	v7 =	vshll.u32 v5, $0x7;
	(pc) =	sbr.rel @p0 .LBB2_4-.Ltmp1, $4  }
0x7b: {  	vm0 =	vlt.u32 v5, $0x20;
	v4 =	vadd.s32 v4, v7;
	v5 =	vor.u32 $0x1000, v6  }
0x7c: {  	s20 =	sadd.s32 $0x10, s20;
	v4 =	vsel vm0, v4, v5  }
0x7d: {  	s24 =	sadd.s32 $0x10, s24;
	[tilespmem:s20+$0x0] =	vst v4  }
0x7e: {  	s22 =	sadd.s32 $0x10, s22;
	s23 =	sadd.s32 $0x10, s23;
	v4 =	vld [tilespmem:s24+$0x0]  }
0x7f: {  	v5 =	vld [tilespmem:s22+$0x0];
	_ =	sdelay $0x3  }
0x80: {  	v6 =	vadd.s32 s21, v4  }
0x81: {  	v5 =	vsub.s32 v5, v1;
	v6 =	vadd.s32 v3, v6  }
0x82: {  	v6 =	vand.u32 $0x3FF, v6;
	v7 =	vshll.u32 v5, $0x7  }
0x83: {  	vm0 =	vlt.u32 v5, $0x20;
	v4 =	vadd.s32 v4, v7;
	v5 =	vor.u32 $0x1000, v6  }
0x84: {  	s20 =	sadd.s32 $0x10, s20;
	v4 =	vsel vm0, v4, v5  }
0x85: {  	[tilespmem:s20+$0x0] =	vst v4  }
0x86: {  	_ =	swait.ge [sflag:s14], $0x100  }
0x87: {  	[sflag:s14] =	ssyncset.done $0x0  }
0x88: {  	[sflag:s14] =	ssyncadd.s32 $0xFFFFFF00  }
0x89: {  	[bflag:$0x0] =	sbarrier.arrive $0xFFFF  }
0x8a: {  	[spmem:s1] =	stream.indirect.scatter.add.f32 [tilespmem:s12], [sflag:$0x3], $0x1, s18, s17, $0xb8;
	[tilespmem:$0x608] =	vst v63  }
0x8b: {  	_ =	swait.ge [sflag:s11], $0x80  }
0x8c: {  	[sflag:s11] =	ssyncset.done $0x0  }
0x8d: {  	[sflag:s11] =	ssyncadd.s32 $0xFFFFFF80  }
0x8e: {  	[bflag:$0x0] =	sbarrier.arrive $0xFFFF  }
0x8f: {  	[tilespmem:s15], [sflag:$0x3] =	stream.linear.gather [spmem:s7], $0x100, $0x38;
	[tilespmem:$0x608] =	vst v63  }
0x90: {  	_ =	swait.ge [sflag:s11], $0x100  }
0x91: {  	s19 =	sadd.s32 $0x1, s19;
	[sflag:s11] =	ssyncset.done $0x0  }
0x92: {  	p0 =	sne.s32 s19, s10;
	[sflag:s11] =	ssyncadd.s32 $0xFFFFFF00  }
0x93: {  	[hbm4b:s9+s3] =	stream.linear.scatter [tilespmem:s15], [sflag:$0x2], $0x100, $0x38;
	[tilespmem:$0x608] =	vst v63  }
.Ltmp2:
0x94: {  	_ =	swait.ge [sflag:s16], $0x100;
	(pc) =	sbr.rel @p0 .LBB2_1-.Ltmp2, $3  }
0x95: {  	[sflag:s16] =	ssyncset.done $0x0  }
0x96: {  	[sflag:s16] =	ssyncadd.s32 $0xFFFFFF00  }
0x97: {  	[bflag:$0x0] =	sbarrier.arrive $0xFFFF;
	_ =	sdelay $0x1  }
0x98: {  	_ =	sfence.sel $0x180000  }
0x99: {  	[bflag:$0x0] =	sbarrier.arrive $0xFFFF  }
0x9a: {  	p0 =	sne.s32 s2, $0x0;
	_ =	strace $0x90000047  }
0x9b: {  	s0 =	sadd.s32 @!p0 $0x100000, s0;
	[bflag:$0x2] =	sbarrier.arrive $0xFFFF  }
0x9c: {  	[sflag:s0] =	ssyncadd.tile.s32 @!p0 $0x1;
	_ =	shalt  }
.Lfunc_end2:
_tile_overlayer_lowered:
.L_overlay_start_2:
0x9d: {  	(tag) =	ssettag $0x2  }
0x9e: {  	s0 =	rddreg [dreg:$0x0];
	s2 =	stileid.u32  }
0x9f: {  	s1 =	rddreg [dreg:$0x1];
	p0 =	sne.s32 s2, $0x0  }
0xa0: {  	s3 =	rddreg [dreg:$0x2];
	[bflag:$0x3] =	sbarrier.arrive $0xFFFF;
	s2 =	simm.s32 @!p0 $0x1C03  }
0xa1: {  	[timem:s3], [sflag:s2] =	dma.local @!p0 [hbm:s0], s1  }
0xa2: {  	s0 =	simm.s32 @!p0 $0x3  }
0xa3: {  	_ =	swait.ge @!p0 [sflag:s0], s1  }
0xa4: {  	s1 =	ssub.s32 @!p0 $0x0, s1;
	[sflag:s0] =	ssyncset.done @!p0 $0x0  }
0xa5: {  	[sflag:s0] =	ssyncadd.s32 @!p0 s1  }
0xa6: {  	[bflag:$0x3] =	sbarrier.arrive $0xFFFF  }
0xa7: {  	_ =	shalt  }

</sc_bundles>
